<compile_context>
chip_gen: v7x
topology: tpu7x:2x2x1
jax: 0.10.2.dev20260603
libtpu: 0.0.44.dev20260713+nightly
codegen_flags: <defaults>
</compile_context>

<pallas_src>
import functools

import jax
import jax.numpy as jnp
from jax import lax
from jax.experimental import pallas as pl
from jax.experimental.pallas import tpu as pltpu
from jax.experimental.pallas import tpu_sc as plsc

B = 16384
S = 10
F = 32
NC = 2
NS = 16
NW = NC * NS
BPW = B // NW
CB = 256
NCHUNK = BPW // CB
CN = CB * S
GB = 8
GN = GB * S
NVEC = GN // 16

_mesh = plsc.VectorSubcoreMesh(core_axis_name="c", subcore_axis_name="s")


def _hsum_all_lanes(p, lane):
    for sft in (8, 4, 2, 1):
        p = p + jnp.take_along_axis(p, jnp.bitwise_xor(lane, sft), axis=0)
    return p


@functools.partial(
    pl.kernel,
    mesh=_mesh,
    compiler_params=pltpu.CompilerParams(use_tc_tiling_on_sc=False,
                                         needs_layout_passes=False),
    out_type=jax.ShapeDtypeStruct((S, B), jnp.float32),
    scratch_types=[
        pltpu.VMEM((CN,), jnp.int32),
        pltpu.VMEM((CB,), jnp.int32),
        pltpu.VMEM((CN, F), jnp.float32),
        pltpu.VMEM((CB, F), jnp.float32),
        pltpu.VMEM((CN,), jnp.float32),
        pltpu.SemaphoreType.DMA,
    ],
)
def _score_kernel(items_hbm, user_hbm, doc_hbm, uemb_hbm, out_hbm,
                  iidx_v, uidx_v, doc_v, usr_v, sc_v, sem):
    wid = lax.axis_index("c") * NS + lax.axis_index("s")
    lane = lax.iota(jnp.int32, 16)

    def chunk_body(chunk, carry):
        bbase = wid * BPW + chunk * CB
        for s in range(S):
            pltpu.sync_copy(items_hbm.at[s, pl.ds(bbase, CB)],
                            iidx_v.at[pl.ds(s * CB, CB)])
        pltpu.sync_copy(user_hbm.at[pl.ds(bbase, CB)], uidx_v)
        cp_doc = pltpu.async_copy(doc_hbm.at[iidx_v], doc_v, sem)
        cp_usr = pltpu.async_copy(uemb_hbm.at[uidx_v], usr_v, sem)
        cp_doc.wait()
        cp_usr.wait()

        def block_body(g, bcarry):
            base_b = (g % (CB // 16)) * 16
            base_n = (g // (CB // 16)) * CB + base_b
            acc = jnp.zeros((16,), jnp.float32)
            for l in range(16):
                u0 = usr_v[base_b + l, pl.ds(0, 16)]
                u1 = usr_v[base_b + l, pl.ds(16, 16)]
                d0 = doc_v[base_n + l, pl.ds(0, 16)]
                d1 = doc_v[base_n + l, pl.ds(16, 16)]
                tot = _hsum_all_lanes(d0 * u0 + d1 * u1, lane)
                acc = jnp.where(lane == l, tot, acc)
            sc_v[pl.ds(base_n, 16)] = acc
            return bcarry

        lax.fori_loop(0, CN // 16, block_body, 0)
        for s in range(S):
            pltpu.sync_copy(sc_v.at[pl.ds(s * CB, CB)],
                            out_hbm.at[s, pl.ds(bbase, CB)])
        return carry

    lax.fori_loop(0, NCHUNK, chunk_body, 0)


def kernel(item_ids, user_ids, docEmbed, userEmbed):
    items_t = item_ids.T.astype(jnp.int32)
    uids = user_ids.astype(jnp.int32)
    out_t = _score_kernel(items_t, uids, docEmbed, userEmbed)
    return out_t.T

# --- scband reference (transcript-rebuilt; emitter-appended) ---
"""Pipeline reference for scband-environment-5394478923967 (READ-ONLY COPY).

The authoritative reference and input builder live on the scoring server;
editing this copy changes nothing except your own understanding.
"""

import jax, jax.numpy as jnp
import numpy as np
import math

MAX_IID = 999999
MAX_UID = 99999
F_SIZE = 32
SLATE = 10
BATCH = 16384


def setup_inputs(seed: int = 0) -> dict:
    key = jax.random.key(seed)
    k1, k2, k3, k4 = jax.random.split(key, 4)
    a = math.sqrt(2.0 / F_SIZE)
    # learned parameters sized per init_kwargs (maxIID+1 rows, maxUID+1 rows)
    docEmbed = jax.random.uniform(k1, (MAX_IID + 1, F_SIZE), minval=-a, maxval=a, dtype=jnp.float32)
    userEmbed = jax.random.uniform(k2, (MAX_UID + 1, F_SIZE), minval=-a, maxval=a, dtype=jnp.float32)
    item_ids = jax.random.randint(k3, (BATCH, SLATE), 0, MAX_IID + 1)
    user_ids = jax.random.randint(k4, (BATCH,), 0, MAX_UID + 1)
    return {"item_ids": item_ids, "user_ids": user_ids, "docEmbed": docEmbed, "userEmbed": userEmbed}


def reference(item_ids, user_ids, docEmbed, userEmbed):
    # doc latent lookup: [B, S, F]
    doc = jnp.take(docEmbed, item_ids, axis=0)
    # user latent lookup: [B, F]
    usr = jnp.take(userEmbed, user_ids, axis=0)
    # environment relevance scores per slate item: [B, S]
    scores = jnp.sum(doc * usr[:, None, :], axis=-1)
    return scores

if __name__ == "__main__":
    import jax
    _d = setup_inputs()
    print(jax.jit(kernel)(*tuple(_d.values())))

</pallas_src>

<mosaic_0001>
#map = affine_map<(d0, d1) -> (0, 0)>
#map1 = affine_map<(d0, d1) -> (0)>
module attributes {stable_mosaic.version = 14 : i64} {
  func.func @_score_kernel(%arg0: i32, %arg1: i32, %arg2: memref<10x16384xi32, #tpu.memory_space<hbm>>, %arg3: memref<16384xi32, #tpu.memory_space<hbm>>, %arg4: memref<1000000x32xf32, #tpu.memory_space<hbm>>, %arg5: memref<100000x32xf32, #tpu.memory_space<hbm>>, %arg6: memref<10x16384xf32, #tpu.memory_space<hbm>>, %arg7: memref<2560xi32, #tpu.memory_space<vmem>>, %arg8: memref<256xi32, #tpu.memory_space<vmem>>, %arg9: memref<2560x32xf32, #tpu.memory_space<vmem>>, %arg10: memref<256x32xf32, #tpu.memory_space<vmem>>, %arg11: memref<2560xf32, #tpu.memory_space<vmem>>, %arg12: memref<!tpu.dma_semaphore, #tpu.memory_space<semaphore_mem>>) attributes {dimension_semantics = [#tpu.dimension_semantics<core_parallel>, #tpu.dimension_semantics<subcore_parallel>], iteration_bounds = array<i64: 2, 16>, scalar_prefetch = 0 : i64, scratch_operands = 6 : i64, tpu.core_type = #tpu.core_type<sc_vector_subcore>, window_params = [{transform_indices = #map}, {transform_indices = #map1}, {transform_indices = #map}, {transform_indices = #map}, {transform_indices = #map}]} {
    %mul3A = arith.constant 16 : i32
    %mul3A_0 = arith.muli %arg0, %mul3A : i32
    %add3A = arith.addi %mul3A_0, %arg1 : i32
    %iota3A = tpu.iota {dimensions = array<i32: 0>} : vector<16xi32>
    %scan3A = arith.constant 0 : i32
    %scan3A_1 = arith.constant 0 : i32
    %scan3A_2 = arith.constant 2 : i32
    %scan3A_3 = arith.addi %scan3A_1, %scan3A_2 : i32
    %scan3A_4 = arith.constant 1 : i32
    scf.for %scan3A_6 = %scan3A_1 to %scan3A_3 step %scan3A_4  : i32 {
      %mul3A_7 = arith.constant 512 : i32
      %mul3A_8 = arith.muli %add3A, %mul3A_7 : i32
      %mul3A_9 = arith.constant 256 : i32
      %mul3A_10 = arith.muli %scan3A_6, %mul3A_9 : i32
      %add3A_11 = arith.addi %mul3A_8, %mul3A_10 : i32
      %run_scoped3A = arith.constant 0 : i32
      "tpu.region"() ({
        %run_scoped3A_47 = tpu.sem_alloc : memref<!tpu.dma_semaphore, #tpu.memory_space<semaphore_mem>>
        %dma_start3A_48 = arith.constant 0 : i32
        %dma_start3A_49 = tpu.memref_slice %arg7[%dma_start3A_48] : memref<2560xi32, #tpu.memory_space<vmem>> -> memref<256xi32, #tpu.memory_space<vmem>>
        %dma_start3A_50 = tpu.memref_slice %arg2[%run_scoped3A, %add3A_11] : memref<10x16384xi32, #tpu.memory_space<hbm>> -> memref<1x256xi32, #tpu.memory_space<hbm>>
        %dma_start3A_51 = tpu.memref_squeeze %dma_start3A_50 : memref<1x256xi32, #tpu.memory_space<hbm>> -> memref<256xi32, #tpu.memory_space<hbm>>
        %dma_start3A_52 = arith.constant 0 : i32
        %dma_start3A_53 = tpu.memref_slice %arg7[%dma_start3A_52] : memref<2560xi32, #tpu.memory_space<vmem>> -> memref<256xi32, #tpu.memory_space<vmem>>
        %dma_start3A_54 = tpu.memref_slice %arg2[%run_scoped3A, %add3A_11] : memref<10x16384xi32, #tpu.memory_space<hbm>> -> memref<1x256xi32, #tpu.memory_space<hbm>>
        %dma_start3A_55 = tpu.memref_squeeze %dma_start3A_54 : memref<1x256xi32, #tpu.memory_space<hbm>> -> memref<256xi32, #tpu.memory_space<hbm>>
        tpu.enqueue_dma source(%dma_start3A_55 : memref<256xi32, #tpu.memory_space<hbm>>) target(%dma_start3A_53 : memref<256xi32, #tpu.memory_space<vmem>>) target_semaphore(%run_scoped3A_47 : memref<!tpu.dma_semaphore, #tpu.memory_space<semaphore_mem>>)
        %dma_wait3A_56 = arith.constant 0 : i32
        %dma_wait3A_57 = tpu.memref_slice %arg7[%dma_wait3A_56] : memref<2560xi32, #tpu.memory_space<vmem>> -> memref<256xi32, #tpu.memory_space<vmem>>
        %dma_wait3A_58 = tpu.memref_slice %arg2[%run_scoped3A, %add3A_11] : memref<10x16384xi32, #tpu.memory_space<hbm>> -> memref<1x256xi32, #tpu.memory_space<hbm>>
        %dma_wait3A_59 = tpu.memref_squeeze %dma_wait3A_58 : memref<1x256xi32, #tpu.memory_space<hbm>> -> memref<256xi32, #tpu.memory_space<hbm>>
        %dma_wait3A_60 = arith.constant 0 : i32
        %dma_wait3A_61 = tpu.memref_slice %arg7[%dma_wait3A_60] : memref<2560xi32, #tpu.memory_space<vmem>> -> memref<256xi32, #tpu.memory_space<vmem>>
        %dma_wait3A_62 = tpu.memref_slice %arg2[%run_scoped3A, %add3A_11] : memref<10x16384xi32, #tpu.memory_space<hbm>> -> memref<1x256xi32, #tpu.memory_space<hbm>>
        %dma_wait3A_63 = tpu.memref_squeeze %dma_wait3A_62 : memref<1x256xi32, #tpu.memory_space<hbm>> -> memref<256xi32, #tpu.memory_space<hbm>>
        tpu.wait_dma2 semaphore(%run_scoped3A_47 : memref<!tpu.dma_semaphore, #tpu.memory_space<semaphore_mem>>) src(%dma_wait3A_63 : memref<256xi32, #tpu.memory_space<hbm>>) dst(%dma_wait3A_61 : memref<256xi32, #tpu.memory_space<vmem>>)
        tpu.yield
      }) : () -> ()
      %run_scoped3A_12 = arith.constant 1 : i32
      "tpu.region"() ({
        %run_scoped3A_47 = tpu.sem_alloc : memref<!tpu.dma_semaphore, #tpu.memory_space<semaphore_mem>>
        %dma_start3A_48 = arith.constant 256 : i32
        %dma_start3A_49 = tpu.memref_slice %arg7[%dma_start3A_48] : memref<2560xi32, #tpu.memory_space<vmem>> -> memref<256xi32, #tpu.memory_space<vmem>>
        %dma_start3A_50 = tpu.memref_slice %arg2[%run_scoped3A_12, %add3A_11] : memref<10x16384xi32, #tpu.memory_space<hbm>> -> memref<1x256xi32, #tpu.memory_space<hbm>>
        %dma_start3A_51 = tpu.memref_squeeze %dma_start3A_50 : memref<1x256xi32, #tpu.memory_space<hbm>> -> memref<256xi32, #tpu.memory_space<hbm>>
        %dma_start3A_52 = arith.constant 256 : i32
        %dma_start3A_53 = tpu.memref_slice %arg7[%dma_start3A_52] : memref<2560xi32, #tpu.memory_space<vmem>> -> memref<256xi32, #tpu.memory_space<vmem>>
        %dma_start3A_54 = tpu.memref_slice %arg2[%run_scoped3A_12, %add3A_11] : memref<10x16384xi32, #tpu.memory_space<hbm>> -> memref<1x256xi32, #tpu.memory_space<hbm>>
        %dma_start3A_55 = tpu.memref_squeeze %dma_start3A_54 : memref<1x256xi32, #tpu.memory_space<hbm>> -> memref<256xi32, #tpu.memory_space<hbm>>
        tpu.enqueue_dma source(%dma_start3A_55 : memref<256xi32, #tpu.memory_space<hbm>>) target(%dma_start3A_53 : memref<256xi32, #tpu.memory_space<vmem>>) target_semaphore(%run_scoped3A_47 : memref<!tpu.dma_semaphore, #tpu.memory_space<semaphore_mem>>)
        %dma_wait3A_56 = arith.constant 256 : i32
        %dma_wait3A_57 = tpu.memref_slice %arg7[%dma_wait3A_56] : memref<2560xi32, #tpu.memory_space<vmem>> -> memref<256xi32, #tpu.memory_space<vmem>>
        %dma_wait3A_58 = tpu.memref_slice %arg2[%run_scoped3A_12, %add3A_11] : memref<10x16384xi32, #tpu.memory_space<hbm>> -> memref<1x256xi32, #tpu.memory_space<hbm>>
        %dma_wait3A_59 = tpu.memref_squeeze %dma_wait3A_58 : memref<1x256xi32, #tpu.memory_space<hbm>> -> memref<256xi32, #tpu.memory_space<hbm>>
        %dma_wait3A_60 = arith.constant 256 : i32
        %dma_wait3A_61 = tpu.memref_slice %arg7[%dma_wait3A_60] : memref<2560xi32, #tpu.memory_space<vmem>> -> memref<256xi32, #tpu.memory_space<vmem>>
        %dma_wait3A_62 = tpu.memref_slice %arg2[%run_scoped3A_12, %add3A_11] : memref<10x16384xi32, #tpu.memory_space<hbm>> -> memref<1x256xi32, #tpu.memory_space<hbm>>
        %dma_wait3A_63 = tpu.memref_squeeze %dma_wait3A_62 : memref<1x256xi32, #tpu.memory_space<hbm>> -> memref<256xi32, #tpu.memory_space<hbm>>
        tpu.wait_dma2 semaphore(%run_scoped3A_47 : memref<!tpu.dma_semaphore, #tpu.memory_space<semaphore_mem>>) src(%dma_wait3A_63 : memref<256xi32, #tpu.memory_space<hbm>>) dst(%dma_wait3A_61 : memref<256xi32, #tpu.memory_space<vmem>>)
        tpu.yield
      }) : () -> ()
      %run_scoped3A_13 = arith.constant 2 : i32
      "tpu.region"() ({
        %run_scoped3A_47 = tpu.sem_alloc : memref<!tpu.dma_semaphore, #tpu.memory_space<semaphore_mem>>
        %dma_start3A_48 = arith.constant 512 : i32
        %dma_start3A_49 = tpu.memref_slice %arg7[%dma_start3A_48] : memref<2560xi32, #tpu.memory_space<vmem>> -> memref<256xi32, #tpu.memory_space<vmem>>
        %dma_start3A_50 = tpu.memref_slice %arg2[%run_scoped3A_13, %add3A_11] : memref<10x16384xi32, #tpu.memory_space<hbm>> -> memref<1x256xi32, #tpu.memory_space<hbm>>
        %dma_start3A_51 = tpu.memref_squeeze %dma_start3A_50 : memref<1x256xi32, #tpu.memory_space<hbm>> -> memref<256xi32, #tpu.memory_space<hbm>>
        %dma_start3A_52 = arith.constant 512 : i32
        %dma_start3A_53 = tpu.memref_slice %arg7[%dma_start3A_52] : memref<2560xi32, #tpu.memory_space<vmem>> -> memref<256xi32, #tpu.memory_space<vmem>>
        %dma_start3A_54 = tpu.memref_slice %arg2[%run_scoped3A_13, %add3A_11] : memref<10x16384xi32, #tpu.memory_space<hbm>> -> memref<1x256xi32, #tpu.memory_space<hbm>>
        %dma_start3A_55 = tpu.memref_squeeze %dma_start3A_54 : memref<1x256xi32, #tpu.memory_space<hbm>> -> memref<256xi32, #tpu.memory_space<hbm>>
        tpu.enqueue_dma source(%dma_start3A_55 : memref<256xi32, #tpu.memory_space<hbm>>) target(%dma_start3A_53 : memref<256xi32, #tpu.memory_space<vmem>>) target_semaphore(%run_scoped3A_47 : memref<!tpu.dma_semaphore, #tpu.memory_space<semaphore_mem>>)
        %dma_wait3A_56 = arith.constant 512 : i32
        %dma_wait3A_57 = tpu.memref_slice %arg7[%dma_wait3A_56] : memref<2560xi32, #tpu.memory_space<vmem>> -> memref<256xi32, #tpu.memory_space<vmem>>
        %dma_wait3A_58 = tpu.memref_slice %arg2[%run_scoped3A_13, %add3A_11] : memref<10x16384xi32, #tpu.memory_space<hbm>> -> memref<1x256xi32, #tpu.memory_space<hbm>>
        %dma_wait3A_59 = tpu.memref_squeeze %dma_wait3A_58 : memref<1x256xi32, #tpu.memory_space<hbm>> -> memref<256xi32, #tpu.memory_space<hbm>>
        %dma_wait3A_60 = arith.constant 512 : i32
        %dma_wait3A_61 = tpu.memref_slice %arg7[%dma_wait3A_60] : memref<2560xi32, #tpu.memory_space<vmem>> -> memref<256xi32, #tpu.memory_space<vmem>>
        %dma_wait3A_62 = tpu.memref_slice %arg2[%run_scoped3A_13, %add3A_11] : memref<10x16384xi32, #tpu.memory_space<hbm>> -> memref<1x256xi32, #tpu.memory_space<hbm>>
        %dma_wait3A_63 = tpu.memref_squeeze %dma_wait3A_62 : memref<1x256xi32, #tpu.memory_space<hbm>> -> memref<256xi32, #tpu.memory_space<hbm>>
        tpu.wait_dma2 semaphore(%run_scoped3A_47 : memref<!tpu.dma_semaphore, #tpu.memory_space<semaphore_mem>>) src(%dma_wait3A_63 : memref<256xi32, #tpu.memory_space<hbm>>) dst(%dma_wait3A_61 : memref<256xi32, #tpu.memory_space<vmem>>)
        tpu.yield
      }) : () -> ()
      %run_scoped3A_14 = arith.constant 3 : i32
      "tpu.region"() ({
        %run_scoped3A_47 = tpu.sem_alloc : memref<!tpu.dma_semaphore, #tpu.memory_space<semaphore_mem>>
        %dma_start3A_48 = arith.constant 768 : i32
        %dma_start3A_49 = tpu.memref_slice %arg7[%dma_start3A_48] : memref<2560xi32, #tpu.memory_space<vmem>> -> memref<256xi32, #tpu.memory_space<vmem>>
        %dma_start3A_50 = tpu.memref_slice %arg2[%run_scoped3A_14, %add3A_11] : memref<10x16384xi32, #tpu.memory_space<hbm>> -> memref<1x256xi32, #tpu.memory_space<hbm>>
        %dma_start3A_51 = tpu.memref_squeeze %dma_start3A_50 : memref<1x256xi32, #tpu.memory_space<hbm>> -> memref<256xi32, #tpu.memory_space<hbm>>
        %dma_start3A_52 = arith.constant 768 : i32
        %dma_start3A_53 = tpu.memref_slice %arg7[%dma_start3A_52] : memref<2560xi32, #tpu.memory_space<vmem>> -> memref<256xi32, #tpu.memory_space<vmem>>
        %dma_start3A_54 = tpu.memref_slice %arg2[%run_scoped3A_14, %add3A_11] : memref<10x16384xi32, #tpu.memory_space<hbm>> -> memref<1x256xi32, #tpu.memory_space<hbm>>
        %dma_start3A_55 = tpu.memref_squeeze %dma_start3A_54 : memref<1x256xi32, #tpu.memory_space<hbm>> -> memref<256xi32, #tpu.memory_space<hbm>>
        tpu.enqueue_dma source(%dma_start3A_55 : memref<256xi32, #tpu.memory_space<hbm>>) target(%dma_start3A_53 : memref<256xi32, #tpu.memory_space<vmem>>) target_semaphore(%run_scoped3A_47 : memref<!tpu.dma_semaphore, #tpu.memory_space<semaphore_mem>>)
        %dma_wait3A_56 = arith.constant 768 : i32
        %dma_wait3A_57 = tpu.memref_slice %arg7[%dma_wait3A_56] : memref<2560xi32, #tpu.memory_space<vmem>> -> memref<256xi32, #tpu.memory_space<vmem>>
        %dma_wait3A_58 = tpu.memref_slice %arg2[%run_scoped3A_14, %add3A_11] : memref<10x16384xi32, #tpu.memory_space<hbm>> -> memref<1x256xi32, #tpu.memory_space<hbm>>
        %dma_wait3A_59 = tpu.memref_squeeze %dma_wait3A_58 : memref<1x256xi32, #tpu.memory_space<hbm>> -> memref<256xi32, #tpu.memory_space<hbm>>
        %dma_wait3A_60 = arith.constant 768 : i32
        %dma_wait3A_61 = tpu.memref_slice %arg7[%dma_wait3A_60] : memref<2560xi32, #tpu.memory_space<vmem>> -> memref<256xi32, #tpu.memory_space<vmem>>
        %dma_wait3A_62 = tpu.memref_slice %arg2[%run_scoped3A_14, %add3A_11] : memref<10x16384xi32, #tpu.memory_space<hbm>> -> memref<1x256xi32, #tpu.memory_space<hbm>>
        %dma_wait3A_63 = tpu.memref_squeeze %dma_wait3A_62 : memref<1x256xi32, #tpu.memory_space<hbm>> -> memref<256xi32, #tpu.memory_space<hbm>>
        tpu.wait_dma2 semaphore(%run_scoped3A_47 : memref<!tpu.dma_semaphore, #tpu.memory_space<semaphore_mem>>) src(%dma_wait3A_63 : memref<256xi32, #tpu.memory_space<hbm>>) dst(%dma_wait3A_61 : memref<256xi32, #tpu.memory_space<vmem>>)
        tpu.yield
      }) : () -> ()
      %run_scoped3A_15 = arith.constant 4 : i32
      "tpu.region"() ({
        %run_scoped3A_47 = tpu.sem_alloc : memref<!tpu.dma_semaphore, #tpu.memory_space<semaphore_mem>>
        %dma_start3A_48 = arith.constant 1024 : i32
        %dma_start3A_49 = tpu.memref_slice %arg7[%dma_start3A_48] : memref<2560xi32, #tpu.memory_space<vmem>> -> memref<256xi32, #tpu.memory_space<vmem>>
        %dma_start3A_50 = tpu.memref_slice %arg2[%run_scoped3A_15, %add3A_11] : memref<10x16384xi32, #tpu.memory_space<hbm>> -> memref<1x256xi32, #tpu.memory_space<hbm>>
        %dma_start3A_51 = tpu.memref_squeeze %dma_start3A_50 : memref<1x256xi32, #tpu.memory_space<hbm>> -> memref<256xi32, #tpu.memory_space<hbm>>
        %dma_start3A_52 = arith.constant 1024 : i32
        %dma_start3A_53 = tpu.memref_slice %arg7[%dma_start3A_52] : memref<2560xi32, #tpu.memory_space<vmem>> -> memref<256xi32, #tpu.memory_space<vmem>>
        %dma_start3A_54 = tpu.memref_slice %arg2[%run_scoped3A_15, %add3A_11] : memref<10x16384xi32, #tpu.memory_space<hbm>> -> memref<1x256xi32, #tpu.memory_space<hbm>>
        %dma_start3A_55 = tpu.memref_squeeze %dma_start3A_54 : memref<1x256xi32, #tpu.memory_space<hbm>> -> memref<256xi32, #tpu.memory_space<hbm>>
        tpu.enqueue_dma source(%dma_start3A_55 : memref<256xi32, #tpu.memory_space<hbm>>) target(%dma_start3A_53 : memref<256xi32, #tpu.memory_space<vmem>>) target_semaphore(%run_scoped3A_47 : memref<!tpu.dma_semaphore, #tpu.memory_space<semaphore_mem>>)
        %dma_wait3A_56 = arith.constant 1024 : i32
        %dma_wait3A_57 = tpu.memref_slice %arg7[%dma_wait3A_56] : memref<2560xi32, #tpu.memory_space<vmem>> -> memref<256xi32, #tpu.memory_space<vmem>>
        %dma_wait3A_58 = tpu.memref_slice %arg2[%run_scoped3A_15, %add3A_11] : memref<10x16384xi32, #tpu.memory_space<hbm>> -> memref<1x256xi32, #tpu.memory_space<hbm>>
        %dma_wait3A_59 = tpu.memref_squeeze %dma_wait3A_58 : memref<1x256xi32, #tpu.memory_space<hbm>> -> memref<256xi32, #tpu.memory_space<hbm>>
        %dma_wait3A_60 = arith.constant 1024 : i32
        %dma_wait3A_61 = tpu.memref_slice %arg7[%dma_wait3A_60] : memref<2560xi32, #tpu.memory_space<vmem>> -> memref<256xi32, #tpu.memory_space<vmem>>
        %dma_wait3A_62 = tpu.memref_slice %arg2[%run_scoped3A_15, %add3A_11] : memref<10x16384xi32, #tpu.memory_space<hbm>> -> memref<1x256xi32, #tpu.memory_space<hbm>>
        %dma_wait3A_63 = tpu.memref_squeeze %dma_wait3A_62 : memref<1x256xi32, #tpu.memory_space<hbm>> -> memref<256xi32, #tpu.memory_space<hbm>>
        tpu.wait_dma2 semaphore(%run_scoped3A_47 : memref<!tpu.dma_semaphore, #tpu.memory_space<semaphore_mem>>) src(%dma_wait3A_63 : memref<256xi32, #tpu.memory_space<hbm>>) dst(%dma_wait3A_61 : memref<256xi32, #tpu.memory_space<vmem>>)
        tpu.yield
      }) : () -> ()
      %run_scoped3A_16 = arith.constant 5 : i32
      "tpu.region"() ({
        %run_scoped3A_47 = tpu.sem_alloc : memref<!tpu.dma_semaphore, #tpu.memory_space<semaphore_mem>>
        %dma_start3A_48 = arith.constant 1280 : i32
        %dma_start3A_49 = tpu.memref_slice %arg7[%dma_start3A_48] : memref<2560xi32, #tpu.memory_space<vmem>> -> memref<256xi32, #tpu.memory_space<vmem>>
        %dma_start3A_50 = tpu.memref_slice %arg2[%run_scoped3A_16, %add3A_11] : memref<10x16384xi32, #tpu.memory_space<hbm>> -> memref<1x256xi32, #tpu.memory_space<hbm>>
        %dma_start3A_51 = tpu.memref_squeeze %dma_start3A_50 : memref<1x256xi32, #tpu.memory_space<hbm>> -> memref<256xi32, #tpu.memory_space<hbm>>
        %dma_start3A_52 = arith.constant 1280 : i32
        %dma_start3A_53 = tpu.memref_slice %arg7[%dma_start3A_52] : memref<2560xi32, #tpu.memory_space<vmem>> -> memref<256xi32, #tpu.memory_space<vmem>>
        %dma_start3A_54 = tpu.memref_slice %arg2[%run_scoped3A_16, %add3A_11] : memref<10x16384xi32, #tpu.memory_space<hbm>> -> memref<1x256xi32, #tpu.memory_space<hbm>>
        %dma_start3A_55 = tpu.memref_squeeze %dma_start3A_54 : memref<1x256xi32, #tpu.memory_space<hbm>> -> memref<256xi32, #tpu.memory_space<hbm>>
        tpu.enqueue_dma source(%dma_start3A_55 : memref<256xi32, #tpu.memory_space<hbm>>) target(%dma_start3A_53 : memref<256xi32, #tpu.memory_space<vmem>>) target_semaphore(%run_scoped3A_47 : memref<!tpu.dma_semaphore, #tpu.memory_space<semaphore_mem>>)
        %dma_wait3A_56 = arith.constant 1280 : i32
        %dma_wait3A_57 = tpu.memref_slice %arg7[%dma_wait3A_56] : memref<2560xi32, #tpu.memory_space<vmem>> -> memref<256xi32, #tpu.memory_space<vmem>>
        %dma_wait3A_58 = tpu.memref_slice %arg2[%run_scoped3A_16, %add3A_11] : memref<10x16384xi32, #tpu.memory_space<hbm>> -> memref<1x256xi32, #tpu.memory_space<hbm>>
        %dma_wait3A_59 = tpu.memref_squeeze %dma_wait3A_58 : memref<1x256xi32, #tpu.memory_space<hbm>> -> memref<256xi32, #tpu.memory_space<hbm>>
        %dma_wait3A_60 = arith.constant 1280 : i32
        %dma_wait3A_61 = tpu.memref_slice %arg7[%dma_wait3A_60] : memref<2560xi32, #tpu.memory_space<vmem>> -> memref<256xi32, #tpu.memory_space<vmem>>
        %dma_wait3A_62 = tpu.memref_slice %arg2[%run_scoped3A_16, %add3A_11] : memref<10x16384xi32, #tpu.memory_space<hbm>> -> memref<1x256xi32, #tpu.memory_space<hbm>>
        %dma_wait3A_63 = tpu.memref_squeeze %dma_wait3A_62 : memref<1x256xi32, #tpu.memory_space<hbm>> -> memref<256xi32, #tpu.memory_space<hbm>>
        tpu.wait_dma2 semaphore(%run_scoped3A_47 : memref<!tpu.dma_semaphore, #tpu.memory_space<semaphore_mem>>) src(%dma_wait3A_63 : memref<256xi32, #tpu.memory_space<hbm>>) dst(%dma_wait3A_61 : memref<256xi32, #tpu.memory_space<vmem>>)
        tpu.yield
      }) : () -> ()
      %run_scoped3A_17 = arith.constant 6 : i32
      "tpu.region"() ({
        %run_scoped3A_47 = tpu.sem_alloc : memref<!tpu.dma_semaphore, #tpu.memory_space<semaphore_mem>>
        %dma_start3A_48 = arith.constant 1536 : i32
        %dma_start3A_49 = tpu.memref_slice %arg7[%dma_start3A_48] : memref<2560xi32, #tpu.memory_space<vmem>> -> memref<256xi32, #tpu.memory_space<vmem>>
        %dma_start3A_50 = tpu.memref_slice %arg2[%run_scoped3A_17, %add3A_11] : memref<10x16384xi32, #tpu.memory_space<hbm>> -> memref<1x256xi32, #tpu.memory_space<hbm>>
        %dma_start3A_51 = tpu.memref_squeeze %dma_start3A_50 : memref<1x256xi32, #tpu.memory_space<hbm>> -> memref<256xi32, #tpu.memory_space<hbm>>
        %dma_start3A_52 = arith.constant 1536 : i32
        %dma_start3A_53 = tpu.memref_slice %arg7[%dma_start3A_52] : memref<2560xi32, #tpu.memory_space<vmem>> -> memref<256xi32, #tpu.memory_space<vmem>>
        %dma_start3A_54 = tpu.memref_slice %arg2[%run_scoped3A_17, %add3A_11] : memref<10x16384xi32, #tpu.memory_space<hbm>> -> memref<1x256xi32, #tpu.memory_space<hbm>>
        %dma_start3A_55 = tpu.memref_squeeze %dma_start3A_54 : memref<1x256xi32, #tpu.memory_space<hbm>> -> memref<256xi32, #tpu.memory_space<hbm>>
        tpu.enqueue_dma source(%dma_start3A_55 : memref<256xi32, #tpu.memory_space<hbm>>) target(%dma_start3A_53 : memref<256xi32, #tpu.memory_space<vmem>>) target_semaphore(%run_scoped3A_47 : memref<!tpu.dma_semaphore, #tpu.memory_space<semaphore_mem>>)
        %dma_wait3A_56 = arith.constant 1536 : i32
        %dma_wait3A_57 = tpu.memref_slice %arg7[%dma_wait3A_56] : memref<2560xi32, #tpu.memory_space<vmem>> -> memref<256xi32, #tpu.memory_space<vmem>>
        %dma_wait3A_58 = tpu.memref_slice %arg2[%run_scoped3A_17, %add3A_11] : memref<10x16384xi32, #tpu.memory_space<hbm>> -> memref<1x256xi32, #tpu.memory_space<hbm>>
        %dma_wait3A_59 = tpu.memref_squeeze %dma_wait3A_58 : memref<1x256xi32, #tpu.memory_space<hbm>> -> memref<256xi32, #tpu.memory_space<hbm>>
        %dma_wait3A_60 = arith.constant 1536 : i32
        %dma_wait3A_61 = tpu.memref_slice %arg7[%dma_wait3A_60] : memref<2560xi32, #tpu.memory_space<vmem>> -> memref<256xi32, #tpu.memory_space<vmem>>
        %dma_wait3A_62 = tpu.memref_slice %arg2[%run_scoped3A_17, %add3A_11] : memref<10x16384xi32, #tpu.memory_space<hbm>> -> memref<1x256xi32, #tpu.memory_space<hbm>>
        %dma_wait3A_63 = tpu.memref_squeeze %dma_wait3A_62 : memref<1x256xi32, #tpu.memory_space<hbm>> -> memref<256xi32, #tpu.memory_space<hbm>>
        tpu.wait_dma2 semaphore(%run_scoped3A_47 : memref<!tpu.dma_semaphore, #tpu.memory_space<semaphore_mem>>) src(%dma_wait3A_63 : memref<256xi32, #tpu.memory_space<hbm>>) dst(%dma_wait3A_61 : memref<256xi32, #tpu.memory_space<vmem>>)
        tpu.yield
      }) : () -> ()
      %run_scoped3A_18 = arith.constant 7 : i32
      "tpu.region"() ({
        %run_scoped3A_47 = tpu.sem_alloc : memref<!tpu.dma_semaphore, #tpu.memory_space<semaphore_mem>>
        %dma_start3A_48 = arith.constant 1792 : i32
        %dma_start3A_49 = tpu.memref_slice %arg7[%dma_start3A_48] : memref<2560xi32, #tpu.memory_space<vmem>> -> memref<256xi32, #tpu.memory_space<vmem>>
        %dma_start3A_50 = tpu.memref_slice %arg2[%run_scoped3A_18, %add3A_11] : memref<10x16384xi32, #tpu.memory_space<hbm>> -> memref<1x256xi32, #tpu.memory_space<hbm>>
        %dma_start3A_51 = tpu.memref_squeeze %dma_start3A_50 : memref<1x256xi32, #tpu.memory_space<hbm>> -> memref<256xi32, #tpu.memory_space<hbm>>
        %dma_start3A_52 = arith.constant 1792 : i32
        %dma_start3A_53 = tpu.memref_slice %arg7[%dma_start3A_52] : memref<2560xi32, #tpu.memory_space<vmem>> -> memref<256xi32, #tpu.memory_space<vmem>>
        %dma_start3A_54 = tpu.memref_slice %arg2[%run_scoped3A_18, %add3A_11] : memref<10x16384xi32, #tpu.memory_space<hbm>> -> memref<1x256xi32, #tpu.memory_space<hbm>>
        %dma_start3A_55 = tpu.memref_squeeze %dma_start3A_54 : memref<1x256xi32, #tpu.memory_space<hbm>> -> memref<256xi32, #tpu.memory_space<hbm>>
        tpu.enqueue_dma source(%dma_start3A_55 : memref<256xi32, #tpu.memory_space<hbm>>) target(%dma_start3A_53 : memref<256xi32, #tpu.memory_space<vmem>>) target_semaphore(%run_scoped3A_47 : memref<!tpu.dma_semaphore, #tpu.memory_space<semaphore_mem>>)
        %dma_wait3A_56 = arith.constant 1792 : i32
        %dma_wait3A_57 = tpu.memref_slice %arg7[%dma_wait3A_56] : memref<2560xi32, #tpu.memory_space<vmem>> -> memref<256xi32, #tpu.memory_space<vmem>>
        %dma_wait3A_58 = tpu.memref_slice %arg2[%run_scoped3A_18, %add3A_11] : memref<10x16384xi32, #tpu.memory_space<hbm>> -> memref<1x256xi32, #tpu.memory_space<hbm>>
        %dma_wait3A_59 = tpu.memref_squeeze %dma_wait3A_58 : memref<1x256xi32, #tpu.memory_space<hbm>> -> memref<256xi32, #tpu.memory_space<hbm>>
        %dma_wait3A_60 = arith.constant 1792 : i32
        %dma_wait3A_61 = tpu.memref_slice %arg7[%dma_wait3A_60] : memref<2560xi32, #tpu.memory_space<vmem>> -> memref<256xi32, #tpu.memory_space<vmem>>
        %dma_wait3A_62 = tpu.memref_slice %arg2[%run_scoped3A_18, %add3A_11] : memref<10x16384xi32, #tpu.memory_space<hbm>> -> memref<1x256xi32, #tpu.memory_space<hbm>>
        %dma_wait3A_63 = tpu.memref_squeeze %dma_wait3A_62 : memref<1x256xi32, #tpu.memory_space<hbm>> -> memref<256xi32, #tpu.memory_space<hbm>>
        tpu.wait_dma2 semaphore(%run_scoped3A_47 : memref<!tpu.dma_semaphore, #tpu.memory_space<semaphore_mem>>) src(%dma_wait3A_63 : memref<256xi32, #tpu.memory_space<hbm>>) dst(%dma_wait3A_61 : memref<256xi32, #tpu.memory_space<vmem>>)
        tpu.yield
      }) : () -> ()
      %run_scoped3A_19 = arith.constant 8 : i32
      "tpu.region"() ({
        %run_scoped3A_47 = tpu.sem_alloc : memref<!tpu.dma_semaphore, #tpu.memory_space<semaphore_mem>>
        %dma_start3A_48 = arith.constant 2048 : i32
        %dma_start3A_49 = tpu.memref_slice %arg7[%dma_start3A_48] : memref<2560xi32, #tpu.memory_space<vmem>> -> memref<256xi32, #tpu.memory_space<vmem>>
        %dma_start3A_50 = tpu.memref_slice %arg2[%run_scoped3A_19, %add3A_11] : memref<10x16384xi32, #tpu.memory_space<hbm>> -> memref<1x256xi32, #tpu.memory_space<hbm>>
        %dma_start3A_51 = tpu.memref_squeeze %dma_start3A_50 : memref<1x256xi32, #tpu.memory_space<hbm>> -> memref<256xi32, #tpu.memory_space<hbm>>
        %dma_start3A_52 = arith.constant 2048 : i32
        %dma_start3A_53 = tpu.memref_slice %arg7[%dma_start3A_52] : memref<2560xi32, #tpu.memory_space<vmem>> -> memref<256xi32, #tpu.memory_space<vmem>>
        %dma_start3A_54 = tpu.memref_slice %arg2[%run_scoped3A_19, %add3A_11] : memref<10x16384xi32, #tpu.memory_space<hbm>> -> memref<1x256xi32, #tpu.memory_space<hbm>>
        %dma_start3A_55 = tpu.memref_squeeze %dma_start3A_54 : memref<1x256xi32, #tpu.memory_space<hbm>> -> memref<256xi32, #tpu.memory_space<hbm>>
        tpu.enqueue_dma source(%dma_start3A_55 : memref<256xi32, #tpu.memory_space<hbm>>) target(%dma_start3A_53 : memref<256xi32, #tpu.memory_space<vmem>>) target_semaphore(%run_scoped3A_47 : memref<!tpu.dma_semaphore, #tpu.memory_space<semaphore_mem>>)
        %dma_wait3A_56 = arith.constant 2048 : i32
        %dma_wait3A_57 = tpu.memref_slice %arg7[%dma_wait3A_56] : memref<2560xi32, #tpu.memory_space<vmem>> -> memref<256xi32, #tpu.memory_space<vmem>>
        %dma_wait3A_58 = tpu.memref_slice %arg2[%run_scoped3A_19, %add3A_11] : memref<10x16384xi32, #tpu.memory_space<hbm>> -> memref<1x256xi32, #tpu.memory_space<hbm>>
        %dma_wait3A_59 = tpu.memref_squeeze %dma_wait3A_58 : memref<1x256xi32, #tpu.memory_space<hbm>> -> memref<256xi32, #tpu.memory_space<hbm>>
        %dma_wait3A_60 = arith.constant 2048 : i32
        %dma_wait3A_61 = tpu.memref_slice %arg7[%dma_wait3A_60] : memref<2560xi32, #tpu.memory_space<vmem>> -> memref<256xi32, #tpu.memory_space<vmem>>
        %dma_wait3A_62 = tpu.memref_slice %arg2[%run_scoped3A_19, %add3A_11] : memref<10x16384xi32, #tpu.memory_space<hbm>> -> memref<1x256xi32, #tpu.memory_space<hbm>>
        %dma_wait3A_63 = tpu.memref_squeeze %dma_wait3A_62 : memref<1x256xi32, #tpu.memory_space<hbm>> -> memref<256xi32, #tpu.memory_space<hbm>>
        tpu.wait_dma2 semaphore(%run_scoped3A_47 : memref<!tpu.dma_semaphore, #tpu.memory_space<semaphore_mem>>) src(%dma_wait3A_63 : memref<256xi32, #tpu.memory_space<hbm>>) dst(%dma_wait3A_61 : memref<256xi32, #tpu.memory_space<vmem>>)
        tpu.yield
      }) : () -> ()
      %run_scoped3A_20 = arith.constant 9 : i32
      "tpu.region"() ({
        %run_scoped3A_47 = tpu.sem_alloc : memref<!tpu.dma_semaphore, #tpu.memory_space<semaphore_mem>>
        %dma_start3A_48 = arith.constant 2304 : i32
        %dma_start3A_49 = tpu.memref_slice %arg7[%dma_start3A_48] : memref<2560xi32, #tpu.memory_space<vmem>> -> memref<256xi32, #tpu.memory_space<vmem>>
        %dma_start3A_50 = tpu.memref_slice %arg2[%run_scoped3A_20, %add3A_11] : memref<10x16384xi32, #tpu.memory_space<hbm>> -> memref<1x256xi32, #tpu.memory_space<hbm>>
        %dma_start3A_51 = tpu.memref_squeeze %dma_start3A_50 : memref<1x256xi32, #tpu.memory_space<hbm>> -> memref<256xi32, #tpu.memory_space<hbm>>
        %dma_start3A_52 = arith.constant 2304 : i32
        %dma_start3A_53 = tpu.memref_slice %arg7[%dma_start3A_52] : memref<2560xi32, #tpu.memory_space<vmem>> -> memref<256xi32, #tpu.memory_space<vmem>>
        %dma_start3A_54 = tpu.memref_slice %arg2[%run_scoped3A_20, %add3A_11] : memref<10x16384xi32, #tpu.memory_space<hbm>> -> memref<1x256xi32, #tpu.memory_space<hbm>>
        %dma_start3A_55 = tpu.memref_squeeze %dma_start3A_54 : memref<1x256xi32, #tpu.memory_space<hbm>> -> memref<256xi32, #tpu.memory_space<hbm>>
        tpu.enqueue_dma source(%dma_start3A_55 : memref<256xi32, #tpu.memory_space<hbm>>) target(%dma_start3A_53 : memref<256xi32, #tpu.memory_space<vmem>>) target_semaphore(%run_scoped3A_47 : memref<!tpu.dma_semaphore, #tpu.memory_space<semaphore_mem>>)
        %dma_wait3A_56 = arith.constant 2304 : i32
        %dma_wait3A_57 = tpu.memref_slice %arg7[%dma_wait3A_56] : memref<2560xi32, #tpu.memory_space<vmem>> -> memref<256xi32, #tpu.memory_space<vmem>>
        %dma_wait3A_58 = tpu.memref_slice %arg2[%run_scoped3A_20, %add3A_11] : memref<10x16384xi32, #tpu.memory_space<hbm>> -> memref<1x256xi32, #tpu.memory_space<hbm>>
        %dma_wait3A_59 = tpu.memref_squeeze %dma_wait3A_58 : memref<1x256xi32, #tpu.memory_space<hbm>> -> memref<256xi32, #tpu.memory_space<hbm>>
        %dma_wait3A_60 = arith.constant 2304 : i32
        %dma_wait3A_61 = tpu.memref_slice %arg7[%dma_wait3A_60] : memref<2560xi32, #tpu.memory_space<vmem>> -> memref<256xi32, #tpu.memory_space<vmem>>
        %dma_wait3A_62 = tpu.memref_slice %arg2[%run_scoped3A_20, %add3A_11] : memref<10x16384xi32, #tpu.memory_space<hbm>> -> memref<1x256xi32, #tpu.memory_space<hbm>>
        %dma_wait3A_63 = tpu.memref_squeeze %dma_wait3A_62 : memref<1x256xi32, #tpu.memory_space<hbm>> -> memref<256xi32, #tpu.memory_space<hbm>>
        tpu.wait_dma2 semaphore(%run_scoped3A_47 : memref<!tpu.dma_semaphore, #tpu.memory_space<semaphore_mem>>) src(%dma_wait3A_63 : memref<256xi32, #tpu.memory_space<hbm>>) dst(%dma_wait3A_61 : memref<256xi32, #tpu.memory_space<vmem>>)
        tpu.yield
      }) : () -> ()
      "tpu.region"() ({
        %run_scoped3A_47 = tpu.sem_alloc : memref<!tpu.dma_semaphore, #tpu.memory_space<semaphore_mem>>
        %dma_start3A_48 = tpu.memref_slice %arg3[%add3A_11] : memref<16384xi32, #tpu.memory_space<hbm>> -> memref<256xi32, #tpu.memory_space<hbm>>
        %dma_start3A_49 = tpu.memref_slice %arg3[%add3A_11] : memref<16384xi32, #tpu.memory_space<hbm>> -> memref<256xi32, #tpu.memory_space<hbm>>
        tpu.enqueue_dma source(%dma_start3A_49 : memref<256xi32, #tpu.memory_space<hbm>>) target(%arg8 : memref<256xi32, #tpu.memory_space<vmem>>) target_semaphore(%run_scoped3A_47 : memref<!tpu.dma_semaphore, #tpu.memory_space<semaphore_mem>>)
        %dma_wait3A_50 = tpu.memref_slice %arg3[%add3A_11] : memref<16384xi32, #tpu.memory_space<hbm>> -> memref<256xi32, #tpu.memory_space<hbm>>
        %dma_wait3A_51 = tpu.memref_slice %arg3[%add3A_11] : memref<16384xi32, #tpu.memory_space<hbm>> -> memref<256xi32, #tpu.memory_space<hbm>>
        tpu.wait_dma2 semaphore(%run_scoped3A_47 : memref<!tpu.dma_semaphore, #tpu.memory_space<semaphore_mem>>) src(%dma_wait3A_51 : memref<256xi32, #tpu.memory_space<hbm>>) dst(%arg8 : memref<256xi32, #tpu.memory_space<vmem>>)
        tpu.yield
      }) : () -> ()
      %dma_start3A = arith.constant 0 : i32
      %dma_start3A_21 = arith.constant 0 : i32
      %dma_start3A_22 = tpu.memref_slice %arg4[%dma_start3A, %dma_start3A_21] : memref<1000000x32xf32, #tpu.memory_space<hbm>> -> memref<1000000x32xf32, #tpu.memory_space<hbm>>
      tpu.enqueue_indirect_dma source(%dma_start3A_22 : memref<1000000x32xf32, #tpu.memory_space<hbm>>) target(%arg9 : memref<2560x32xf32, #tpu.memory_space<vmem>>) offsets(%arg7 : memref<2560xi32, #tpu.memory_space<vmem>>) semaphore(%arg12 : memref<!tpu.dma_semaphore, #tpu.memory_space<semaphore_mem>>)
      %dma_start3A_23 = arith.constant 0 : i32
      %dma_start3A_24 = arith.constant 0 : i32
      %dma_start3A_25 = tpu.memref_slice %arg5[%dma_start3A_23, %dma_start3A_24] : memref<100000x32xf32, #tpu.memory_space<hbm>> -> memref<100000x32xf32, #tpu.memory_space<hbm>>
      tpu.enqueue_indirect_dma source(%dma_start3A_25 : memref<100000x32xf32, #tpu.memory_space<hbm>>) target(%arg10 : memref<256x32xf32, #tpu.memory_space<vmem>>) offsets(%arg8 : memref<256xi32, #tpu.memory_space<vmem>>) semaphore(%arg12 : memref<!tpu.dma_semaphore, #tpu.memory_space<semaphore_mem>>)
      %dma_wait3A = arith.constant 0 : i32
      %dma_wait3A_26 = arith.constant 0 : i32
      %dma_wait3A_27 = tpu.memref_slice %arg4[%dma_wait3A, %dma_wait3A_26] : memref<1000000x32xf32, #tpu.memory_space<hbm>> -> memref<1000000x32xf32, #tpu.memory_space<hbm>>
      tpu.wait_indirect_dma semaphore(%arg12 : memref<!tpu.dma_semaphore, #tpu.memory_space<semaphore_mem>>) src(%dma_wait3A_27 : memref<1000000x32xf32, #tpu.memory_space<hbm>>) dst(%arg9 : memref<2560x32xf32, #tpu.memory_space<vmem>>)
      %dma_wait3A_28 = arith.constant 0 : i32
      %dma_wait3A_29 = arith.constant 0 : i32
      %dma_wait3A_30 = tpu.memref_slice %arg5[%dma_wait3A_28, %dma_wait3A_29] : memref<100000x32xf32, #tpu.memory_space<hbm>> -> memref<100000x32xf32, #tpu.memory_space<hbm>>
      tpu.wait_indirect_dma semaphore(%arg12 : memref<!tpu.dma_semaphore, #tpu.memory_space<semaphore_mem>>) src(%dma_wait3A_30 : memref<100000x32xf32, #tpu.memory_space<hbm>>) dst(%arg10 : memref<256x32xf32, #tpu.memory_space<vmem>>)
      %scan3A_31 = arith.constant 0 : i32
      %scan3A_32 = arith.constant 0 : i32
      %scan3A_33 = arith.constant 160 : i32
      %scan3A_34 = arith.addi %scan3A_32, %scan3A_33 : i32
      %scan3A_35 = arith.constant 1 : i32
      scf.for %scan3A_47 = %scan3A_32 to %scan3A_34 step %scan3A_35  : i32 {
        %jit3A = arith.constant 16 : i32
        %eq3A = arith.constant 0 : i32
        %eq3A_48 = arith.cmpi eq, %jit3A, %eq3A : i32
        %jit3A_49 = arith.constant 1 : i32
        %select_n3A = arith.select %eq3A_48, %jit3A_49, %jit3A : i32
        %rem3A = arith.remsi %scan3A_47, %select_n3A : i32
        %ne3A = arith.constant 0 : i32
        %ne3A_50 = arith.cmpi ne, %rem3A, %ne3A : i32
        %lt3A = arith.constant 0 : i32
        %lt3A_51 = arith.cmpi slt, %rem3A, %lt3A : i32
        %lt3A_52 = arith.constant 0 : i32
        %lt3A_53 = arith.cmpi slt, %select_n3A, %lt3A_52 : i32
        %ne3A_54 = arith.xori %lt3A_51, %lt3A_53 : i1
        %and3A = arith.andi %ne3A_54, %ne3A_50 : i1
        %add3A_55 = arith.addi %rem3A, %select_n3A : i32
        %select_n3A_56 = arith.select %and3A, %add3A_55, %rem3A : i32
        %mul3A_57 = arith.constant 16 : i32
        %mul3A_58 = arith.muli %select_n3A_56, %mul3A_57 : i32
        %jit3A_59 = arith.constant 16 : i32
        %div3A = arith.divsi %scan3A_47, %jit3A_59 : i32
        %sign3A = arith.constant 0 : i32
        %sign3A_60 = arith.cmpi sgt, %scan3A_47, %sign3A : i32
        %sign3A_61 = arith.extui %sign3A_60 : i1 to i32
        %sign3A_62 = arith.constant 0 : i32
        %sign3A_63 = arith.cmpi slt, %scan3A_47, %sign3A_62 : i32
        %sign3A_64 = arith.extui %sign3A_63 : i1 to i32
        %sign3A_65 = arith.subi %sign3A_61, %sign3A_64 : i32
        %sign3A_66 = arith.constant 0 : i32
        %sign3A_67 = arith.cmpi sgt, %jit3A_59, %sign3A_66 : i32
        %sign3A_68 = arith.extui %sign3A_67 : i1 to i32
        %sign3A_69 = arith.constant 0 : i32
        %sign3A_70 = arith.cmpi slt, %jit3A_59, %sign3A_69 : i32
        %sign3A_71 = arith.extui %sign3A_70 : i1 to i32
        %sign3A_72 = arith.subi %sign3A_68, %sign3A_71 : i32
        %ne3A_73 = arith.cmpi ne, %sign3A_65, %sign3A_72 : i32
        %rem3A_74 = arith.remsi %scan3A_47, %jit3A_59 : i32
        %ne3A_75 = arith.constant 0 : i32
        %ne3A_76 = arith.cmpi ne, %rem3A_74, %ne3A_75 : i32
        %and3A_77 = arith.andi %ne3A_73, %ne3A_76 : i1
        %sub3A = arith.constant 1 : i32
        %sub3A_78 = arith.subi %div3A, %sub3A : i32
        %select_n3A_79 = arith.select %and3A_77, %sub3A_78, %div3A : i32
        %mul3A_80 = arith.constant 256 : i32
        %mul3A_81 = arith.muli %select_n3A_79, %mul3A_80 : i32
        %add3A_82 = arith.addi %mul3A_81, %mul3A_58 : i32
        %broadcast_in_dim3A = arith.constant 0.000000e+00 : f32
        %broadcast_in_dim3A_83 = vector.broadcast %broadcast_in_dim3A : f32 to vector<16xf32>
        %add3A_84 = arith.constant 0 : i32
        %add3A_85 = arith.addi %mul3A_58, %add3A_84 : i32
        %get3A = arith.index_cast %add3A_85 : i32 to index
        %get3A_86 = arith.constant 0 : index
        %get3A_87 = tpu.vector_load %arg10[%get3A, %get3A_86] {strides = array<i32>} : memref<256x32xf32, #tpu.memory_space<vmem>>, vector<16xf32>,
        %add3A_88 = arith.constant 0 : i32
        %add3A_89 = arith.addi %mul3A_58, %add3A_88 : i32
        %get3A_90 = arith.index_cast %add3A_89 : i32 to index
        %get3A_91 = arith.constant 16 : index
        %get3A_92 = tpu.vector_load %arg10[%get3A_90, %get3A_91] {strides = array<i32>} : memref<256x32xf32, #tpu.memory_space<vmem>>, vector<16xf32>,
        %add3A_93 = arith.constant 0 : i32
        %add3A_94 = arith.addi %add3A_82, %add3A_93 : i32
        %get3A_95 = arith.index_cast %add3A_94 : i32 to index
        %get3A_96 = arith.constant 0 : index
        %get3A_97 = tpu.vector_load %arg9[%get3A_95, %get3A_96] {strides = array<i32>} : memref<2560x32xf32, #tpu.memory_space<vmem>>, vector<16xf32>,
        %add3A_98 = arith.constant 0 : i32
        %add3A_99 = arith.addi %add3A_82, %add3A_98 : i32
        %get3A_100 = arith.index_cast %add3A_99 : i32 to index
        %get3A_101 = arith.constant 16 : index
        %get3A_102 = tpu.vector_load %arg9[%get3A_100, %get3A_101] {strides = array<i32>} : memref<2560x32xf32, #tpu.memory_space<vmem>>, vector<16xf32>,
        %mul3A_103 = arith.mulf %get3A_97, %get3A_87 : vector<16xf32>
        %mul3A_104 = arith.mulf %get3A_102, %get3A_92 : vector<16xf32>
        %add3A_105 = arith.addf %mul3A_103, %mul3A_104 : vector<16xf32>
        %xor3A = arith.constant 8 : i32
        %xor3A_106 = vector.broadcast %xor3A : i32 to vector<16xi32>
        %xor3A_107 = arith.xori %iota3A, %xor3A_106 : vector<16xi32>
        %lt3A_108 = arith.constant 0 : i32
        %lt3A_109 = vector.broadcast %lt3A_108 : i32 to vector<16xi32>
        %lt3A_110 = arith.cmpi slt, %xor3A_107, %lt3A_109 : vector<16xi32>
        %add3A_111 = arith.constant 16 : i32
        %add3A_112 = vector.broadcast %add3A_111 : i32 to vector<16xi32>
        %add3A_113 = arith.addi %xor3A_107, %add3A_112 : vector<16xi32>
        %select_n3A_114 = arith.select %lt3A_110, %add3A_113, %xor3A_107 : vector<16xi1>, vector<16xi32>
        %reshape3A = vector.shape_cast %select_n3A_114 : vector<16xi32> to vector<16x1xi32>
        %gather3A = vector.shape_cast %reshape3A : vector<16x1xi32> to vector<16xi32>
        %gather3A_115 = tpu.dynamic_gather %add3A_105[%gather3A] in [0] : vector<16xf32>, vector<16xi32> -> vector<16xf32>
        %add3A_116 = arith.addf %add3A_105, %gather3A_115 : vector<16xf32>
        %xor3A_117 = arith.constant 4 : i32
        %xor3A_118 = vector.broadcast %xor3A_117 : i32 to vector<16xi32>
        %xor3A_119 = arith.xori %iota3A, %xor3A_118 : vector<16xi32>
        %lt3A_120 = arith.constant 0 : i32
        %lt3A_121 = vector.broadcast %lt3A_120 : i32 to vector<16xi32>
        %lt3A_122 = arith.cmpi slt, %xor3A_119, %lt3A_121 : vector<16xi32>
        %add3A_123 = arith.constant 16 : i32
        %add3A_124 = vector.broadcast %add3A_123 : i32 to vector<16xi32>
        %add3A_125 = arith.addi %xor3A_119, %add3A_124 : vector<16xi32>
        %select_n3A_126 = arith.select %lt3A_122, %add3A_125, %xor3A_119 : vector<16xi1>, vector<16xi32>
        %reshape3A_127 = vector.shape_cast %select_n3A_126 : vector<16xi32> to vector<16x1xi32>
        %gather3A_128 = vector.shape_cast %reshape3A_127 : vector<16x1xi32> to vector<16xi32>
        %gather3A_129 = tpu.dynamic_gather %add3A_116[%gather3A_128] in [0] : vector<16xf32>, vector<16xi32> -> vector<16xf32>
        %add3A_130 = arith.addf %add3A_116, %gather3A_129 : vector<16xf32>
        %xor3A_131 = arith.constant 2 : i32
        %xor3A_132 = vector.broadcast %xor3A_131 : i32 to vector<16xi32>
        %xor3A_133 = arith.xori %iota3A, %xor3A_132 : vector<16xi32>
        %lt3A_134 = arith.constant 0 : i32
        %lt3A_135 = vector.broadcast %lt3A_134 : i32 to vector<16xi32>
        %lt3A_136 = arith.cmpi slt, %xor3A_133, %lt3A_135 : vector<16xi32>
        %add3A_137 = arith.constant 16 : i32
        %add3A_138 = vector.broadcast %add3A_137 : i32 to vector<16xi32>
        %add3A_139 = arith.addi %xor3A_133, %add3A_138 : vector<16xi32>
        %select_n3A_140 = arith.select %lt3A_136, %add3A_139, %xor3A_133 : vector<16xi1>, vector<16xi32>
        %reshape3A_141 = vector.shape_cast %select_n3A_140 : vector<16xi32> to vector<16x1xi32>
        %gather3A_142 = vector.shape_cast %reshape3A_141 : vector<16x1xi32> to vector<16xi32>
        %gather3A_143 = tpu.dynamic_gather %add3A_130[%gather3A_142] in [0] : vector<16xf32>, vector<16xi32> -> vector<16xf32>
        %add3A_144 = arith.addf %add3A_130, %gather3A_143 : vector<16xf32>
        %xor3A_145 = arith.constant 1 : i32
        %xor3A_146 = vector.broadcast %xor3A_145 : i32 to vector<16xi32>
        %xor3A_147 = arith.xori %iota3A, %xor3A_146 : vector<16xi32>
        %lt3A_148 = arith.constant 0 : i32
        %lt3A_149 = vector.broadcast %lt3A_148 : i32 to vector<16xi32>
        %lt3A_150 = arith.cmpi slt, %xor3A_147, %lt3A_149 : vector<16xi32>
        %add3A_151 = arith.constant 16 : i32
        %add3A_152 = vector.broadcast %add3A_151 : i32 to vector<16xi32>
        %add3A_153 = arith.addi %xor3A_147, %add3A_152 : vector<16xi32>
        %select_n3A_154 = arith.select %lt3A_150, %add3A_153, %xor3A_147 : vector<16xi1>, vector<16xi32>
        %reshape3A_155 = vector.shape_cast %select_n3A_154 : vector<16xi32> to vector<16x1xi32>
        %gather3A_156 = vector.shape_cast %reshape3A_155 : vector<16x1xi32> to vector<16xi32>
        %gather3A_157 = tpu.dynamic_gather %add3A_144[%gather3A_156] in [0] : vector<16xf32>, vector<16xi32> -> vector<16xf32>
        %add3A_158 = arith.addf %add3A_144, %gather3A_157 : vector<16xf32>
        %eq3A_159 = arith.constant 0 : i32
        %eq3A_160 = vector.broadcast %eq3A_159 : i32 to vector<16xi32>
        %eq3A_161 = arith.cmpi eq, %iota3A, %eq3A_160 : vector<16xi32>
        %select_n3A_162 = arith.select %eq3A_161, %add3A_158, %broadcast_in_dim3A_83 : vector<16xi1>, vector<16xf32>
        %add3A_163 = arith.constant 1 : i32
        %add3A_164 = arith.addi %mul3A_58, %add3A_163 : i32
        %get3A_165 = arith.index_cast %add3A_164 : i32 to index
        %get3A_166 = arith.constant 0 : index
        %get3A_167 = tpu.vector_load %arg10[%get3A_165, %get3A_166] {strides = array<i32>} : memref<256x32xf32, #tpu.memory_space<vmem>>, vector<16xf32>,
        %add3A_168 = arith.constant 1 : i32
        %add3A_169 = arith.addi %mul3A_58, %add3A_168 : i32
        %get3A_170 = arith.index_cast %add3A_169 : i32 to index
        %get3A_171 = arith.constant 16 : index
        %get3A_172 = tpu.vector_load %arg10[%get3A_170, %get3A_171] {strides = array<i32>} : memref<256x32xf32, #tpu.memory_space<vmem>>, vector<16xf32>,
        %add3A_173 = arith.constant 1 : i32
        %add3A_174 = arith.addi %add3A_82, %add3A_173 : i32
        %get3A_175 = arith.index_cast %add3A_174 : i32 to index
        %get3A_176 = arith.constant 0 : index
        %get3A_177 = tpu.vector_load %arg9[%get3A_175, %get3A_176] {strides = array<i32>} : memref<2560x32xf32, #tpu.memory_space<vmem>>, vector<16xf32>,
        %add3A_178 = arith.constant 1 : i32
        %add3A_179 = arith.addi %add3A_82, %add3A_178 : i32
        %get3A_180 = arith.index_cast %add3A_179 : i32 to index
        %get3A_181 = arith.constant 16 : index
        %get3A_182 = tpu.vector_load %arg9[%get3A_180, %get3A_181] {strides = array<i32>} : memref<2560x32xf32, #tpu.memory_space<vmem>>, vector<16xf32>,
        %mul3A_183 = arith.mulf %get3A_177, %get3A_167 : vector<16xf32>
        %mul3A_184 = arith.mulf %get3A_182, %get3A_172 : vector<16xf32>
        %add3A_185 = arith.addf %mul3A_183, %mul3A_184 : vector<16xf32>
        %xor3A_186 = arith.constant 8 : i32
        %xor3A_187 = vector.broadcast %xor3A_186 : i32 to vector<16xi32>
        %xor3A_188 = arith.xori %iota3A, %xor3A_187 : vector<16xi32>
        %lt3A_189 = arith.constant 0 : i32
        %lt3A_190 = vector.broadcast %lt3A_189 : i32 to vector<16xi32>
        %lt3A_191 = arith.cmpi slt, %xor3A_188, %lt3A_190 : vector<16xi32>
        %add3A_192 = arith.constant 16 : i32
        %add3A_193 = vector.broadcast %add3A_192 : i32 to vector<16xi32>
        %add3A_194 = arith.addi %xor3A_188, %add3A_193 : vector<16xi32>
        %select_n3A_195 = arith.select %lt3A_191, %add3A_194, %xor3A_188 : vector<16xi1>, vector<16xi32>
        %reshape3A_196 = vector.shape_cast %select_n3A_195 : vector<16xi32> to vector<16x1xi32>
        %gather3A_197 = vector.shape_cast %reshape3A_196 : vector<16x1xi32> to vector<16xi32>
        %gather3A_198 = tpu.dynamic_gather %add3A_185[%gather3A_197] in [0] : vector<16xf32>, vector<16xi32> -> vector<16xf32>
        %add3A_199 = arith.addf %add3A_185, %gather3A_198 : vector<16xf32>
        %xor3A_200 = arith.constant 4 : i32
        %xor3A_201 = vector.broadcast %xor3A_200 : i32 to vector<16xi32>
        %xor3A_202 = arith.xori %iota3A, %xor3A_201 : vector<16xi32>
        %lt3A_203 = arith.constant 0 : i32
        %lt3A_204 = vector.broadcast %lt3A_203 : i32 to vector<16xi32>
        %lt3A_205 = arith.cmpi slt, %xor3A_202, %lt3A_204 : vector<16xi32>
        %add3A_206 = arith.constant 16 : i32
        %add3A_207 = vector.broadcast %add3A_206 : i32 to vector<16xi32>
        %add3A_208 = arith.addi %xor3A_202, %add3A_207 : vector<16xi32>
        %select_n3A_209 = arith.select %lt3A_205, %add3A_208, %xor3A_202 : vector<16xi1>, vector<16xi32>
        %reshape3A_210 = vector.shape_cast %select_n3A_209 : vector<16xi32> to vector<16x1xi32>
        %gather3A_211 = vector.shape_cast %reshape3A_210 : vector<16x1xi32> to vector<16xi32>
        %gather3A_212 = tpu.dynamic_gather %add3A_199[%gather3A_211] in [0] : vector<16xf32>, vector<16xi32> -> vector<16xf32>
        %add3A_213 = arith.addf %add3A_199, %gather3A_212 : vector<16xf32>
        %xor3A_214 = arith.constant 2 : i32
        %xor3A_215 = vector.broadcast %xor3A_214 : i32 to vector<16xi32>
        %xor3A_216 = arith.xori %iota3A, %xor3A_215 : vector<16xi32>
        %lt3A_217 = arith.constant 0 : i32
        %lt3A_218 = vector.broadcast %lt3A_217 : i32 to vector<16xi32>
        %lt3A_219 = arith.cmpi slt, %xor3A_216, %lt3A_218 : vector<16xi32>
        %add3A_220 = arith.constant 16 : i32
        %add3A_221 = vector.broadcast %add3A_220 : i32 to vector<16xi32>
        %add3A_222 = arith.addi %xor3A_216, %add3A_221 : vector<16xi32>
        %select_n3A_223 = arith.select %lt3A_219, %add3A_222, %xor3A_216 : vector<16xi1>, vector<16xi32>
        %reshape3A_224 = vector.shape_cast %select_n3A_223 : vector<16xi32> to vector<16x1xi32>
        %gather3A_225 = vector.shape_cast %reshape3A_224 : vector<16x1xi32> to vector<16xi32>
        %gather3A_226 = tpu.dynamic_gather %add3A_213[%gather3A_225] in [0] : vector<16xf32>, vector<16xi32> -> vector<16xf32>
        %add3A_227 = arith.addf %add3A_213, %gather3A_226 : vector<16xf32>
        %xor3A_228 = arith.constant 1 : i32
        %xor3A_229 = vector.broadcast %xor3A_228 : i32 to vector<16xi32>
        %xor3A_230 = arith.xori %iota3A, %xor3A_229 : vector<16xi32>
        %lt3A_231 = arith.constant 0 : i32
        %lt3A_232 = vector.broadcast %lt3A_231 : i32 to vector<16xi32>
        %lt3A_233 = arith.cmpi slt, %xor3A_230, %lt3A_232 : vector<16xi32>
        %add3A_234 = arith.constant 16 : i32
        %add3A_235 = vector.broadcast %add3A_234 : i32 to vector<16xi32>
        %add3A_236 = arith.addi %xor3A_230, %add3A_235 : vector<16xi32>
        %select_n3A_237 = arith.select %lt3A_233, %add3A_236, %xor3A_230 : vector<16xi1>, vector<16xi32>
        %reshape3A_238 = vector.shape_cast %select_n3A_237 : vector<16xi32> to vector<16x1xi32>
        %gather3A_239 = vector.shape_cast %reshape3A_238 : vector<16x1xi32> to vector<16xi32>
        %gather3A_240 = tpu.dynamic_gather %add3A_227[%gather3A_239] in [0] : vector<16xf32>, vector<16xi32> -> vector<16xf32>
        %add3A_241 = arith.addf %add3A_227, %gather3A_240 : vector<16xf32>
        %eq3A_242 = arith.constant 1 : i32
        %eq3A_243 = vector.broadcast %eq3A_242 : i32 to vector<16xi32>
        %eq3A_244 = arith.cmpi eq, %iota3A, %eq3A_243 : vector<16xi32>
        %select_n3A_245 = arith.select %eq3A_244, %add3A_241, %select_n3A_162 : vector<16xi1>, vector<16xf32>
        %add3A_246 = arith.constant 2 : i32
        %add3A_247 = arith.addi %mul3A_58, %add3A_246 : i32
        %get3A_248 = arith.index_cast %add3A_247 : i32 to index
        %get3A_249 = arith.constant 0 : index
        %get3A_250 = tpu.vector_load %arg10[%get3A_248, %get3A_249] {strides = array<i32>} : memref<256x32xf32, #tpu.memory_space<vmem>>, vector<16xf32>,
        %add3A_251 = arith.constant 2 : i32
        %add3A_252 = arith.addi %mul3A_58, %add3A_251 : i32
        %get3A_253 = arith.index_cast %add3A_252 : i32 to index
        %get3A_254 = arith.constant 16 : index
        %get3A_255 = tpu.vector_load %arg10[%get3A_253, %get3A_254] {strides = array<i32>} : memref<256x32xf32, #tpu.memory_space<vmem>>, vector<16xf32>,
        %add3A_256 = arith.constant 2 : i32
        %add3A_257 = arith.addi %add3A_82, %add3A_256 : i32
        %get3A_258 = arith.index_cast %add3A_257 : i32 to index
        %get3A_259 = arith.constant 0 : index
        %get3A_260 = tpu.vector_load %arg9[%get3A_258, %get3A_259] {strides = array<i32>} : memref<2560x32xf32, #tpu.memory_space<vmem>>, vector<16xf32>,
        %add3A_261 = arith.constant 2 : i32
        %add3A_262 = arith.addi %add3A_82, %add3A_261 : i32
        %get3A_263 = arith.index_cast %add3A_262 : i32 to index
        %get3A_264 = arith.constant 16 : index
        %get3A_265 = tpu.vector_load %arg9[%get3A_263, %get3A_264] {strides = array<i32>} : memref<2560x32xf32, #tpu.memory_space<vmem>>, vector<16xf32>,
        %mul3A_266 = arith.mulf %get3A_260, %get3A_250 : vector<16xf32>
        %mul3A_267 = arith.mulf %get3A_265, %get3A_255 : vector<16xf32>
        %add3A_268 = arith.addf %mul3A_266, %mul3A_267 : vector<16xf32>
        %xor3A_269 = arith.constant 8 : i32
        %xor3A_270 = vector.broadcast %xor3A_269 : i32 to vector<16xi32>
        %xor3A_271 = arith.xori %iota3A, %xor3A_270 : vector<16xi32>
        %lt3A_272 = arith.constant 0 : i32
        %lt3A_273 = vector.broadcast %lt3A_272 : i32 to vector<16xi32>
        %lt3A_274 = arith.cmpi slt, %xor3A_271, %lt3A_273 : vector<16xi32>
        %add3A_275 = arith.constant 16 : i32
        %add3A_276 = vector.broadcast %add3A_275 : i32 to vector<16xi32>
        %add3A_277 = arith.addi %xor3A_271, %add3A_276 : vector<16xi32>
        %select_n3A_278 = arith.select %lt3A_274, %add3A_277, %xor3A_271 : vector<16xi1>, vector<16xi32>
        %reshape3A_279 = vector.shape_cast %select_n3A_278 : vector<16xi32> to vector<16x1xi32>
        %gather3A_280 = vector.shape_cast %reshape3A_279 : vector<16x1xi32> to vector<16xi32>
        %gather3A_281 = tpu.dynamic_gather %add3A_268[%gather3A_280] in [0] : vector<16xf32>, vector<16xi32> -> vector<16xf32>
        %add3A_282 = arith.addf %add3A_268, %gather3A_281 : vector<16xf32>
        %xor3A_283 = arith.constant 4 : i32
        %xor3A_284 = vector.broadcast %xor3A_283 : i32 to vector<16xi32>
        %xor3A_285 = arith.xori %iota3A, %xor3A_284 : vector<16xi32>
        %lt3A_286 = arith.constant 0 : i32
        %lt3A_287 = vector.broadcast %lt3A_286 : i32 to vector<16xi32>
        %lt3A_288 = arith.cmpi slt, %xor3A_285, %lt3A_287 : vector<16xi32>
        %add3A_289 = arith.constant 16 : i32
        %add3A_290 = vector.broadcast %add3A_289 : i32 to vector<16xi32>
        %add3A_291 = arith.addi %xor3A_285, %add3A_290 : vector<16xi32>
        %select_n3A_292 = arith.select %lt3A_288, %add3A_291, %xor3A_285 : vector<16xi1>, vector<16xi32>
        %reshape3A_293 = vector.shape_cast %select_n3A_292 : vector<16xi32> to vector<16x1xi32>
        %gather3A_294 = vector.shape_cast %reshape3A_293 : vector<16x1xi32> to vector<16xi32>
        %gather3A_295 = tpu.dynamic_gather %add3A_282[%gather3A_294] in [0] : vector<16xf32>, vector<16xi32> -> vector<16xf32>
        %add3A_296 = arith.addf %add3A_282, %gather3A_295 : vector<16xf32>
        %xor3A_297 = arith.constant 2 : i32
        %xor3A_298 = vector.broadcast %xor3A_297 : i32 to vector<16xi32>
        %xor3A_299 = arith.xori %iota3A, %xor3A_298 : vector<16xi32>
        %lt3A_300 = arith.constant 0 : i32
        %lt3A_301 = vector.broadcast %lt3A_300 : i32 to vector<16xi32>
        %lt3A_302 = arith.cmpi slt, %xor3A_299, %lt3A_301 : vector<16xi32>
        %add3A_303 = arith.constant 16 : i32
        %add3A_304 = vector.broadcast %add3A_303 : i32 to vector<16xi32>
        %add3A_305 = arith.addi %xor3A_299, %add3A_304 : vector<16xi32>
        %select_n3A_306 = arith.select %lt3A_302, %add3A_305, %xor3A_299 : vector<16xi1>, vector<16xi32>
        %reshape3A_307 = vector.shape_cast %select_n3A_306 : vector<16xi32> to vector<16x1xi32>
        %gather3A_308 = vector.shape_cast %reshape3A_307 : vector<16x1xi32> to vector<16xi32>
        %gather3A_309 = tpu.dynamic_gather %add3A_296[%gather3A_308] in [0] : vector<16xf32>, vector<16xi32> -> vector<16xf32>
        %add3A_310 = arith.addf %add3A_296, %gather3A_309 : vector<16xf32>
        %xor3A_311 = arith.constant 1 : i32
        %xor3A_312 = vector.broadcast %xor3A_311 : i32 to vector<16xi32>
        %xor3A_313 = arith.xori %iota3A, %xor3A_312 : vector<16xi32>
        %lt3A_314 = arith.constant 0 : i32
        %lt3A_315 = vector.broadcast %lt3A_314 : i32 to vector<16xi32>
        %lt3A_316 = arith.cmpi slt, %xor3A_313, %lt3A_315 : vector<16xi32>
        %add3A_317 = arith.constant 16 : i32
        %add3A_318 = vector.broadcast %add3A_317 : i32 to vector<16xi32>
        %add3A_319 = arith.addi %xor3A_313, %add3A_318 : vector<16xi32>
        %select_n3A_320 = arith.select %lt3A_316, %add3A_319, %xor3A_313 : vector<16xi1>, vector<16xi32>
        %reshape3A_321 = vector.shape_cast %select_n3A_320 : vector<16xi32> to vector<16x1xi32>
        %gather3A_322 = vector.shape_cast %reshape3A_321 : vector<16x1xi32> to vector<16xi32>
        %gather3A_323 = tpu.dynamic_gather %add3A_310[%gather3A_322] in [0] : vector<16xf32>, vector<16xi32> -> vector<16xf32>
        %add3A_324 = arith.addf %add3A_310, %gather3A_323 : vector<16xf32>
        %eq3A_325 = arith.constant 2 : i32
        %eq3A_326 = vector.broadcast %eq3A_325 : i32 to vector<16xi32>
        %eq3A_327 = arith.cmpi eq, %iota3A, %eq3A_326 : vector<16xi32>
        %select_n3A_328 = arith.select %eq3A_327, %add3A_324, %select_n3A_245 : vector<16xi1>, vector<16xf32>
        %add3A_329 = arith.constant 3 : i32
        %add3A_330 = arith.addi %mul3A_58, %add3A_329 : i32
        %get3A_331 = arith.index_cast %add3A_330 : i32 to index
        %get3A_332 = arith.constant 0 : index
        %get3A_333 = tpu.vector_load %arg10[%get3A_331, %get3A_332] {strides = array<i32>} : memref<256x32xf32, #tpu.memory_space<vmem>>, vector<16xf32>,
        %add3A_334 = arith.constant 3 : i32
        %add3A_335 = arith.addi %mul3A_58, %add3A_334 : i32
        %get3A_336 = arith.index_cast %add3A_335 : i32 to index
        %get3A_337 = arith.constant 16 : index
        %get3A_338 = tpu.vector_load %arg10[%get3A_336, %get3A_337] {strides = array<i32>} : memref<256x32xf32, #tpu.memory_space<vmem>>, vector<16xf32>,
        %add3A_339 = arith.constant 3 : i32
        %add3A_340 = arith.addi %add3A_82, %add3A_339 : i32
        %get3A_341 = arith.index_cast %add3A_340 : i32 to index
        %get3A_342 = arith.constant 0 : index
        %get3A_343 = tpu.vector_load %arg9[%get3A_341, %get3A_342] {strides = array<i32>} : memref<2560x32xf32, #tpu.memory_space<vmem>>, vector<16xf32>,
        %add3A_344 = arith.constant 3 : i32
        %add3A_345 = arith.addi %add3A_82, %add3A_344 : i32
        %get3A_346 = arith.index_cast %add3A_345 : i32 to index
        %get3A_347 = arith.constant 16 : index
        %get3A_348 = tpu.vector_load %arg9[%get3A_346, %get3A_347] {strides = array<i32>} : memref<2560x32xf32, #tpu.memory_space<vmem>>, vector<16xf32>,
        %mul3A_349 = arith.mulf %get3A_343, %get3A_333 : vector<16xf32>
        %mul3A_350 = arith.mulf %get3A_348, %get3A_338 : vector<16xf32>
        %add3A_351 = arith.addf %mul3A_349, %mul3A_350 : vector<16xf32>
        %xor3A_352 = arith.constant 8 : i32
        %xor3A_353 = vector.broadcast %xor3A_352 : i32 to vector<16xi32>
        %xor3A_354 = arith.xori %iota3A, %xor3A_353 : vector<16xi32>
        %lt3A_355 = arith.constant 0 : i32
        %lt3A_356 = vector.broadcast %lt3A_355 : i32 to vector<16xi32>
        %lt3A_357 = arith.cmpi slt, %xor3A_354, %lt3A_356 : vector<16xi32>
        %add3A_358 = arith.constant 16 : i32
        %add3A_359 = vector.broadcast %add3A_358 : i32 to vector<16xi32>
        %add3A_360 = arith.addi %xor3A_354, %add3A_359 : vector<16xi32>
        %select_n3A_361 = arith.select %lt3A_357, %add3A_360, %xor3A_354 : vector<16xi1>, vector<16xi32>
        %reshape3A_362 = vector.shape_cast %select_n3A_361 : vector<16xi32> to vector<16x1xi32>
        %gather3A_363 = vector.shape_cast %reshape3A_362 : vector<16x1xi32> to vector<16xi32>
        %gather3A_364 = tpu.dynamic_gather %add3A_351[%gather3A_363] in [0] : vector<16xf32>, vector<16xi32> -> vector<16xf32>
        %add3A_365 = arith.addf %add3A_351, %gather3A_364 : vector<16xf32>
        %xor3A_366 = arith.constant 4 : i32
        %xor3A_367 = vector.broadcast %xor3A_366 : i32 to vector<16xi32>
        %xor3A_368 = arith.xori %iota3A, %xor3A_367 : vector<16xi32>
        %lt3A_369 = arith.constant 0 : i32
        %lt3A_370 = vector.broadcast %lt3A_369 : i32 to vector<16xi32>
        %lt3A_371 = arith.cmpi slt, %xor3A_368, %lt3A_370 : vector<16xi32>
        %add3A_372 = arith.constant 16 : i32
        %add3A_373 = vector.broadcast %add3A_372 : i32 to vector<16xi32>
        %add3A_374 = arith.addi %xor3A_368, %add3A_373 : vector<16xi32>
        %select_n3A_375 = arith.select %lt3A_371, %add3A_374, %xor3A_368 : vector<16xi1>, vector<16xi32>
        %reshape3A_376 = vector.shape_cast %select_n3A_375 : vector<16xi32> to vector<16x1xi32>
        %gather3A_377 = vector.shape_cast %reshape3A_376 : vector<16x1xi32> to vector<16xi32>
        %gather3A_378 = tpu.dynamic_gather %add3A_365[%gather3A_377] in [0] : vector<16xf32>, vector<16xi32> -> vector<16xf32>
        %add3A_379 = arith.addf %add3A_365, %gather3A_378 : vector<16xf32>
        %xor3A_380 = arith.constant 2 : i32
        %xor3A_381 = vector.broadcast %xor3A_380 : i32 to vector<16xi32>
        %xor3A_382 = arith.xori %iota3A, %xor3A_381 : vector<16xi32>
        %lt3A_383 = arith.constant 0 : i32
        %lt3A_384 = vector.broadcast %lt3A_383 : i32 to vector<16xi32>
        %lt3A_385 = arith.cmpi slt, %xor3A_382, %lt3A_384 : vector<16xi32>
        %add3A_386 = arith.constant 16 : i32
        %add3A_387 = vector.broadcast %add3A_386 : i32 to vector<16xi32>
        %add3A_388 = arith.addi %xor3A_382, %add3A_387 : vector<16xi32>
        %select_n3A_389 = arith.select %lt3A_385, %add3A_388, %xor3A_382 : vector<16xi1>, vector<16xi32>
        %reshape3A_390 = vector.shape_cast %select_n3A_389 : vector<16xi32> to vector<16x1xi32>
        %gather3A_391 = vector.shape_cast %reshape3A_390 : vector<16x1xi32> to vector<16xi32>
        %gather3A_392 = tpu.dynamic_gather %add3A_379[%gather3A_391] in [0] : vector<16xf32>, vector<16xi32> -> vector<16xf32>
        %add3A_393 = arith.addf %add3A_379, %gather3A_392 : vector<16xf32>
        %xor3A_394 = arith.constant 1 : i32
        %xor3A_395 = vector.broadcast %xor3A_394 : i32 to vector<16xi32>
        %xor3A_396 = arith.xori %iota3A, %xor3A_395 : vector<16xi32>
        %lt3A_397 = arith.constant 0 : i32
        %lt3A_398 = vector.broadcast %lt3A_397 : i32 to vector<16xi32>
        %lt3A_399 = arith.cmpi slt, %xor3A_396, %lt3A_398 : vector<16xi32>
        %add3A_400 = arith.constant 16 : i32
        %add3A_401 = vector.broadcast %add3A_400 : i32 to vector<16xi32>
        %add3A_402 = arith.addi %xor3A_396, %add3A_401 : vector<16xi32>
        %select_n3A_403 = arith.select %lt3A_399, %add3A_402, %xor3A_396 : vector<16xi1>, vector<16xi32>
        %reshape3A_404 = vector.shape_cast %select_n3A_403 : vector<16xi32> to vector<16x1xi32>
        %gather3A_405 = vector.shape_cast %reshape3A_404 : vector<16x1xi32> to vector<16xi32>
        %gather3A_406 = tpu.dynamic_gather %add3A_393[%gather3A_405] in [0] : vector<16xf32>, vector<16xi32> -> vector<16xf32>
        %add3A_407 = arith.addf %add3A_393, %gather3A_406 : vector<16xf32>
        %eq3A_408 = arith.constant 3 : i32
        %eq3A_409 = vector.broadcast %eq3A_408 : i32 to vector<16xi32>
        %eq3A_410 = arith.cmpi eq, %iota3A, %eq3A_409 : vector<16xi32>
        %select_n3A_411 = arith.select %eq3A_410, %add3A_407, %select_n3A_328 : vector<16xi1>, vector<16xf32>
        %add3A_412 = arith.constant 4 : i32
        %add3A_413 = arith.addi %mul3A_58, %add3A_412 : i32
        %get3A_414 = arith.index_cast %add3A_413 : i32 to index
        %get3A_415 = arith.constant 0 : index
        %get3A_416 = tpu.vector_load %arg10[%get3A_414, %get3A_415] {strides = array<i32>} : memref<256x32xf32, #tpu.memory_space<vmem>>, vector<16xf32>,
        %add3A_417 = arith.constant 4 : i32
        %add3A_418 = arith.addi %mul3A_58, %add3A_417 : i32
        %get3A_419 = arith.index_cast %add3A_418 : i32 to index
        %get3A_420 = arith.constant 16 : index
        %get3A_421 = tpu.vector_load %arg10[%get3A_419, %get3A_420] {strides = array<i32>} : memref<256x32xf32, #tpu.memory_space<vmem>>, vector<16xf32>,
        %add3A_422 = arith.constant 4 : i32
        %add3A_423 = arith.addi %add3A_82, %add3A_422 : i32
        %get3A_424 = arith.index_cast %add3A_423 : i32 to index
        %get3A_425 = arith.constant 0 : index
        %get3A_426 = tpu.vector_load %arg9[%get3A_424, %get3A_425] {strides = array<i32>} : memref<2560x32xf32, #tpu.memory_space<vmem>>, vector<16xf32>,
        %add3A_427 = arith.constant 4 : i32
        %add3A_428 = arith.addi %add3A_82, %add3A_427 : i32
        %get3A_429 = arith.index_cast %add3A_428 : i32 to index
        %get3A_430 = arith.constant 16 : index
        %get3A_431 = tpu.vector_load %arg9[%get3A_429, %get3A_430] {strides = array<i32>} : memref<2560x32xf32, #tpu.memory_space<vmem>>, vector<16xf32>,
        %mul3A_432 = arith.mulf %get3A_426, %get3A_416 : vector<16xf32>
        %mul3A_433 = arith.mulf %get3A_431, %get3A_421 : vector<16xf32>
        %add3A_434 = arith.addf %mul3A_432, %mul3A_433 : vector<16xf32>
        %xor3A_435 = arith.constant 8 : i32
        %xor3A_436 = vector.broadcast %xor3A_435 : i32 to vector<16xi32>
        %xor3A_437 = arith.xori %iota3A, %xor3A_436 : vector<16xi32>
        %lt3A_438 = arith.constant 0 : i32
        %lt3A_439 = vector.broadcast %lt3A_438 : i32 to vector<16xi32>
        %lt3A_440 = arith.cmpi slt, %xor3A_437, %lt3A_439 : vector<16xi32>
        %add3A_441 = arith.constant 16 : i32
        %add3A_442 = vector.broadcast %add3A_441 : i32 to vector<16xi32>
        %add3A_443 = arith.addi %xor3A_437, %add3A_442 : vector<16xi32>
        %select_n3A_444 = arith.select %lt3A_440, %add3A_443, %xor3A_437 : vector<16xi1>, vector<16xi32>
        %reshape3A_445 = vector.shape_cast %select_n3A_444 : vector<16xi32> to vector<16x1xi32>
        %gather3A_446 = vector.shape_cast %reshape3A_445 : vector<16x1xi32> to vector<16xi32>
        %gather3A_447 = tpu.dynamic_gather %add3A_434[%gather3A_446] in [0] : vector<16xf32>, vector<16xi32> -> vector<16xf32>
        %add3A_448 = arith.addf %add3A_434, %gather3A_447 : vector<16xf32>
        %xor3A_449 = arith.constant 4 : i32
        %xor3A_450 = vector.broadcast %xor3A_449 : i32 to vector<16xi32>
        %xor3A_451 = arith.xori %iota3A, %xor3A_450 : vector<16xi32>
        %lt3A_452 = arith.constant 0 : i32
        %lt3A_453 = vector.broadcast %lt3A_452 : i32 to vector<16xi32>
        %lt3A_454 = arith.cmpi slt, %xor3A_451, %lt3A_453 : vector<16xi32>
        %add3A_455 = arith.constant 16 : i32
        %add3A_456 = vector.broadcast %add3A_455 : i32 to vector<16xi32>
        %add3A_457 = arith.addi %xor3A_451, %add3A_456 : vector<16xi32>
        %select_n3A_458 = arith.select %lt3A_454, %add3A_457, %xor3A_451 : vector<16xi1>, vector<16xi32>
        %reshape3A_459 = vector.shape_cast %select_n3A_458 : vector<16xi32> to vector<16x1xi32>
        %gather3A_460 = vector.shape_cast %reshape3A_459 : vector<16x1xi32> to vector<16xi32>
        %gather3A_461 = tpu.dynamic_gather %add3A_448[%gather3A_460] in [0] : vector<16xf32>, vector<16xi32> -> vector<16xf32>
        %add3A_462 = arith.addf %add3A_448, %gather3A_461 : vector<16xf32>
        %xor3A_463 = arith.constant 2 : i32
        %xor3A_464 = vector.broadcast %xor3A_463 : i32 to vector<16xi32>
        %xor3A_465 = arith.xori %iota3A, %xor3A_464 : vector<16xi32>
        %lt3A_466 = arith.constant 0 : i32
        %lt3A_467 = vector.broadcast %lt3A_466 : i32 to vector<16xi32>
        %lt3A_468 = arith.cmpi slt, %xor3A_465, %lt3A_467 : vector<16xi32>
        %add3A_469 = arith.constant 16 : i32
        %add3A_470 = vector.broadcast %add3A_469 : i32 to vector<16xi32>
        %add3A_471 = arith.addi %xor3A_465, %add3A_470 : vector<16xi32>
        %select_n3A_472 = arith.select %lt3A_468, %add3A_471, %xor3A_465 : vector<16xi1>, vector<16xi32>
        %reshape3A_473 = vector.shape_cast %select_n3A_472 : vector<16xi32> to vector<16x1xi32>
        %gather3A_474 = vector.shape_cast %reshape3A_473 : vector<16x1xi32> to vector<16xi32>
        %gather3A_475 = tpu.dynamic_gather %add3A_462[%gather3A_474] in [0] : vector<16xf32>, vector<16xi32> -> vector<16xf32>
        %add3A_476 = arith.addf %add3A_462, %gather3A_475 : vector<16xf32>
        %xor3A_477 = arith.constant 1 : i32
        %xor3A_478 = vector.broadcast %xor3A_477 : i32 to vector<16xi32>
        %xor3A_479 = arith.xori %iota3A, %xor3A_478 : vector<16xi32>
        %lt3A_480 = arith.constant 0 : i32
        %lt3A_481 = vector.broadcast %lt3A_480 : i32 to vector<16xi32>
        %lt3A_482 = arith.cmpi slt, %xor3A_479, %lt3A_481 : vector<16xi32>
        %add3A_483 = arith.constant 16 : i32
        %add3A_484 = vector.broadcast %add3A_483 : i32 to vector<16xi32>
        %add3A_485 = arith.addi %xor3A_479, %add3A_484 : vector<16xi32>
        %select_n3A_486 = arith.select %lt3A_482, %add3A_485, %xor3A_479 : vector<16xi1>, vector<16xi32>
        %reshape3A_487 = vector.shape_cast %select_n3A_486 : vector<16xi32> to vector<16x1xi32>
        %gather3A_488 = vector.shape_cast %reshape3A_487 : vector<16x1xi32> to vector<16xi32>
        %gather3A_489 = tpu.dynamic_gather %add3A_476[%gather3A_488] in [0] : vector<16xf32>, vector<16xi32> -> vector<16xf32>
        %add3A_490 = arith.addf %add3A_476, %gather3A_489 : vector<16xf32>
        %eq3A_491 = arith.constant 4 : i32
        %eq3A_492 = vector.broadcast %eq3A_491 : i32 to vector<16xi32>
        %eq3A_493 = arith.cmpi eq, %iota3A, %eq3A_492 : vector<16xi32>
        %select_n3A_494 = arith.select %eq3A_493, %add3A_490, %select_n3A_411 : vector<16xi1>, vector<16xf32>
        %add3A_495 = arith.constant 5 : i32
        %add3A_496 = arith.addi %mul3A_58, %add3A_495 : i32
        %get3A_497 = arith.index_cast %add3A_496 : i32 to index
        %get3A_498 = arith.constant 0 : index
        %get3A_499 = tpu.vector_load %arg10[%get3A_497, %get3A_498] {strides = array<i32>} : memref<256x32xf32, #tpu.memory_space<vmem>>, vector<16xf32>,
        %add3A_500 = arith.constant 5 : i32
        %add3A_501 = arith.addi %mul3A_58, %add3A_500 : i32
        %get3A_502 = arith.index_cast %add3A_501 : i32 to index
        %get3A_503 = arith.constant 16 : index
        %get3A_504 = tpu.vector_load %arg10[%get3A_502, %get3A_503] {strides = array<i32>} : memref<256x32xf32, #tpu.memory_space<vmem>>, vector<16xf32>,
        %add3A_505 = arith.constant 5 : i32
        %add3A_506 = arith.addi %add3A_82, %add3A_505 : i32
        %get3A_507 = arith.index_cast %add3A_506 : i32 to index
        %get3A_508 = arith.constant 0 : index
        %get3A_509 = tpu.vector_load %arg9[%get3A_507, %get3A_508] {strides = array<i32>} : memref<2560x32xf32, #tpu.memory_space<vmem>>, vector<16xf32>,
        %add3A_510 = arith.constant 5 : i32
        %add3A_511 = arith.addi %add3A_82, %add3A_510 : i32
        %get3A_512 = arith.index_cast %add3A_511 : i32 to index
        %get3A_513 = arith.constant 16 : index
        %get3A_514 = tpu.vector_load %arg9[%get3A_512, %get3A_513] {strides = array<i32>} : memref<2560x32xf32, #tpu.memory_space<vmem>>, vector<16xf32>,
        %mul3A_515 = arith.mulf %get3A_509, %get3A_499 : vector<16xf32>
        %mul3A_516 = arith.mulf %get3A_514, %get3A_504 : vector<16xf32>
        %add3A_517 = arith.addf %mul3A_515, %mul3A_516 : vector<16xf32>
        %xor3A_518 = arith.constant 8 : i32
        %xor3A_519 = vector.broadcast %xor3A_518 : i32 to vector<16xi32>
        %xor3A_520 = arith.xori %iota3A, %xor3A_519 : vector<16xi32>
        %lt3A_521 = arith.constant 0 : i32
        %lt3A_522 = vector.broadcast %lt3A_521 : i32 to vector<16xi32>
        %lt3A_523 = arith.cmpi slt, %xor3A_520, %lt3A_522 : vector<16xi32>
        %add3A_524 = arith.constant 16 : i32
        %add3A_525 = vector.broadcast %add3A_524 : i32 to vector<16xi32>
        %add3A_526 = arith.addi %xor3A_520, %add3A_525 : vector<16xi32>
        %select_n3A_527 = arith.select %lt3A_523, %add3A_526, %xor3A_520 : vector<16xi1>, vector<16xi32>
        %reshape3A_528 = vector.shape_cast %select_n3A_527 : vector<16xi32> to vector<16x1xi32>
        %gather3A_529 = vector.shape_cast %reshape3A_528 : vector<16x1xi32> to vector<16xi32>
        %gather3A_530 = tpu.dynamic_gather %add3A_517[%gather3A_529] in [0] : vector<16xf32>, vector<16xi32> -> vector<16xf32>
        %add3A_531 = arith.addf %add3A_517, %gather3A_530 : vector<16xf32>
        %xor3A_532 = arith.constant 4 : i32
        %xor3A_533 = vector.broadcast %xor3A_532 : i32 to vector<16xi32>
        %xor3A_534 = arith.xori %iota3A, %xor3A_533 : vector<16xi32>
        %lt3A_535 = arith.constant 0 : i32
        %lt3A_536 = vector.broadcast %lt3A_535 : i32 to vector<16xi32>
        %lt3A_537 = arith.cmpi slt, %xor3A_534, %lt3A_536 : vector<16xi32>
        %add3A_538 = arith.constant 16 : i32
        %add3A_539 = vector.broadcast %add3A_538 : i32 to vector<16xi32>
        %add3A_540 = arith.addi %xor3A_534, %add3A_539 : vector<16xi32>
        %select_n3A_541 = arith.select %lt3A_537, %add3A_540, %xor3A_534 : vector<16xi1>, vector<16xi32>
        %reshape3A_542 = vector.shape_cast %select_n3A_541 : vector<16xi32> to vector<16x1xi32>
        %gather3A_543 = vector.shape_cast %reshape3A_542 : vector<16x1xi32> to vector<16xi32>
        %gather3A_544 = tpu.dynamic_gather %add3A_531[%gather3A_543] in [0] : vector<16xf32>, vector<16xi32> -> vector<16xf32>
        %add3A_545 = arith.addf %add3A_531, %gather3A_544 : vector<16xf32>
        %xor3A_546 = arith.constant 2 : i32
        %xor3A_547 = vector.broadcast %xor3A_546 : i32 to vector<16xi32>
        %xor3A_548 = arith.xori %iota3A, %xor3A_547 : vector<16xi32>
        %lt3A_549 = arith.constant 0 : i32
        %lt3A_550 = vector.broadcast %lt3A_549 : i32 to vector<16xi32>
        %lt3A_551 = arith.cmpi slt, %xor3A_548, %lt3A_550 : vector<16xi32>
        %add3A_552 = arith.constant 16 : i32
        %add3A_553 = vector.broadcast %add3A_552 : i32 to vector<16xi32>
        %add3A_554 = arith.addi %xor3A_548, %add3A_553 : vector<16xi32>
        %select_n3A_555 = arith.select %lt3A_551, %add3A_554, %xor3A_548 : vector<16xi1>, vector<16xi32>
        %reshape3A_556 = vector.shape_cast %select_n3A_555 : vector<16xi32> to vector<16x1xi32>
        %gather3A_557 = vector.shape_cast %reshape3A_556 : vector<16x1xi32> to vector<16xi32>
        %gather3A_558 = tpu.dynamic_gather %add3A_545[%gather3A_557] in [0] : vector<16xf32>, vector<16xi32> -> vector<16xf32>
        %add3A_559 = arith.addf %add3A_545, %gather3A_558 : vector<16xf32>
        %xor3A_560 = arith.constant 1 : i32
        %xor3A_561 = vector.broadcast %xor3A_560 : i32 to vector<16xi32>
        %xor3A_562 = arith.xori %iota3A, %xor3A_561 : vector<16xi32>
        %lt3A_563 = arith.constant 0 : i32
        %lt3A_564 = vector.broadcast %lt3A_563 : i32 to vector<16xi32>
        %lt3A_565 = arith.cmpi slt, %xor3A_562, %lt3A_564 : vector<16xi32>
        %add3A_566 = arith.constant 16 : i32
        %add3A_567 = vector.broadcast %add3A_566 : i32 to vector<16xi32>
        %add3A_568 = arith.addi %xor3A_562, %add3A_567 : vector<16xi32>
        %select_n3A_569 = arith.select %lt3A_565, %add3A_568, %xor3A_562 : vector<16xi1>, vector<16xi32>
        %reshape3A_570 = vector.shape_cast %select_n3A_569 : vector<16xi32> to vector<16x1xi32>
        %gather3A_571 = vector.shape_cast %reshape3A_570 : vector<16x1xi32> to vector<16xi32>
        %gather3A_572 = tpu.dynamic_gather %add3A_559[%gather3A_571] in [0] : vector<16xf32>, vector<16xi32> -> vector<16xf32>
        %add3A_573 = arith.addf %add3A_559, %gather3A_572 : vector<16xf32>
        %eq3A_574 = arith.constant 5 : i32
        %eq3A_575 = vector.broadcast %eq3A_574 : i32 to vector<16xi32>
        %eq3A_576 = arith.cmpi eq, %iota3A, %eq3A_575 : vector<16xi32>
        %select_n3A_577 = arith.select %eq3A_576, %add3A_573, %select_n3A_494 : vector<16xi1>, vector<16xf32>
        %add3A_578 = arith.constant 6 : i32
        %add3A_579 = arith.addi %mul3A_58, %add3A_578 : i32
        %get3A_580 = arith.index_cast %add3A_579 : i32 to index
        %get3A_581 = arith.constant 0 : index
        %get3A_582 = tpu.vector_load %arg10[%get3A_580, %get3A_581] {strides = array<i32>} : memref<256x32xf32, #tpu.memory_space<vmem>>, vector<16xf32>,
        %add3A_583 = arith.constant 6 : i32
        %add3A_584 = arith.addi %mul3A_58, %add3A_583 : i32
        %get3A_585 = arith.index_cast %add3A_584 : i32 to index
        %get3A_586 = arith.constant 16 : index
        %get3A_587 = tpu.vector_load %arg10[%get3A_585, %get3A_586] {strides = array<i32>} : memref<256x32xf32, #tpu.memory_space<vmem>>, vector<16xf32>,
        %add3A_588 = arith.constant 6 : i32
        %add3A_589 = arith.addi %add3A_82, %add3A_588 : i32
        %get3A_590 = arith.index_cast %add3A_589 : i32 to index
        %get3A_591 = arith.constant 0 : index
        %get3A_592 = tpu.vector_load %arg9[%get3A_590, %get3A_591] {strides = array<i32>} : memref<2560x32xf32, #tpu.memory_space<vmem>>, vector<16xf32>,
        %add3A_593 = arith.constant 6 : i32
        %add3A_594 = arith.addi %add3A_82, %add3A_593 : i32
        %get3A_595 = arith.index_cast %add3A_594 : i32 to index
        %get3A_596 = arith.constant 16 : index
        %get3A_597 = tpu.vector_load %arg9[%get3A_595, %get3A_596] {strides = array<i32>} : memref<2560x32xf32, #tpu.memory_space<vmem>>, vector<16xf32>,
        %mul3A_598 = arith.mulf %get3A_592, %get3A_582 : vector<16xf32>
        %mul3A_599 = arith.mulf %get3A_597, %get3A_587 : vector<16xf32>
        %add3A_600 = arith.addf %mul3A_598, %mul3A_599 : vector<16xf32>
        %xor3A_601 = arith.constant 8 : i32
        %xor3A_602 = vector.broadcast %xor3A_601 : i32 to vector<16xi32>
        %xor3A_603 = arith.xori %iota3A, %xor3A_602 : vector<16xi32>
        %lt3A_604 = arith.constant 0 : i32
        %lt3A_605 = vector.broadcast %lt3A_604 : i32 to vector<16xi32>
        %lt3A_606 = arith.cmpi slt, %xor3A_603, %lt3A_605 : vector<16xi32>
        %add3A_607 = arith.constant 16 : i32
        %add3A_608 = vector.broadcast %add3A_607 : i32 to vector<16xi32>
        %add3A_609 = arith.addi %xor3A_603, %add3A_608 : vector<16xi32>
        %select_n3A_610 = arith.select %lt3A_606, %add3A_609, %xor3A_603 : vector<16xi1>, vector<16xi32>
        %reshape3A_611 = vector.shape_cast %select_n3A_610 : vector<16xi32> to vector<16x1xi32>
        %gather3A_612 = vector.shape_cast %reshape3A_611 : vector<16x1xi32> to vector<16xi32>
        %gather3A_613 = tpu.dynamic_gather %add3A_600[%gather3A_612] in [0] : vector<16xf32>, vector<16xi32> -> vector<16xf32>
        %add3A_614 = arith.addf %add3A_600, %gather3A_613 : vector<16xf32>
        %xor3A_615 = arith.constant 4 : i32
        %xor3A_616 = vector.broadcast %xor3A_615 : i32 to vector<16xi32>
        %xor3A_617 = arith.xori %iota3A, %xor3A_616 : vector<16xi32>
        %lt3A_618 = arith.constant 0 : i32
        %lt3A_619 = vector.broadcast %lt3A_618 : i32 to vector<16xi32>
        %lt3A_620 = arith.cmpi slt, %xor3A_617, %lt3A_619 : vector<16xi32>
        %add3A_621 = arith.constant 16 : i32
        %add3A_622 = vector.broadcast %add3A_621 : i32 to vector<16xi32>
        %add3A_623 = arith.addi %xor3A_617, %add3A_622 : vector<16xi32>
        %select_n3A_624 = arith.select %lt3A_620, %add3A_623, %xor3A_617 : vector<16xi1>, vector<16xi32>
        %reshape3A_625 = vector.shape_cast %select_n3A_624 : vector<16xi32> to vector<16x1xi32>
        %gather3A_626 = vector.shape_cast %reshape3A_625 : vector<16x1xi32> to vector<16xi32>
        %gather3A_627 = tpu.dynamic_gather %add3A_614[%gather3A_626] in [0] : vector<16xf32>, vector<16xi32> -> vector<16xf32>
        %add3A_628 = arith.addf %add3A_614, %gather3A_627 : vector<16xf32>
        %xor3A_629 = arith.constant 2 : i32
        %xor3A_630 = vector.broadcast %xor3A_629 : i32 to vector<16xi32>
        %xor3A_631 = arith.xori %iota3A, %xor3A_630 : vector<16xi32>
        %lt3A_632 = arith.constant 0 : i32
        %lt3A_633 = vector.broadcast %lt3A_632 : i32 to vector<16xi32>
        %lt3A_634 = arith.cmpi slt, %xor3A_631, %lt3A_633 : vector<16xi32>
        %add3A_635 = arith.constant 16 : i32
        %add3A_636 = vector.broadcast %add3A_635 : i32 to vector<16xi32>
        %add3A_637 = arith.addi %xor3A_631, %add3A_636 : vector<16xi32>
        %select_n3A_638 = arith.select %lt3A_634, %add3A_637, %xor3A_631 : vector<16xi1>, vector<16xi32>
        %reshape3A_639 = vector.shape_cast %select_n3A_638 : vector<16xi32> to vector<16x1xi32>
        %gather3A_640 = vector.shape_cast %reshape3A_639 : vector<16x1xi32> to vector<16xi32>
        %gather3A_641 = tpu.dynamic_gather %add3A_628[%gather3A_640] in [0] : vector<16xf32>, vector<16xi32> -> vector<16xf32>
        %add3A_642 = arith.addf %add3A_628, %gather3A_641 : vector<16xf32>
        %xor3A_643 = arith.constant 1 : i32
        %xor3A_644 = vector.broadcast %xor3A_643 : i32 to vector<16xi32>
        %xor3A_645 = arith.xori %iota3A, %xor3A_644 : vector<16xi32>
        %lt3A_646 = arith.constant 0 : i32
        %lt3A_647 = vector.broadcast %lt3A_646 : i32 to vector<16xi32>
        %lt3A_648 = arith.cmpi slt, %xor3A_645, %lt3A_647 : vector<16xi32>
        %add3A_649 = arith.constant 16 : i32
        %add3A_650 = vector.broadcast %add3A_649 : i32 to vector<16xi32>
        %add3A_651 = arith.addi %xor3A_645, %add3A_650 : vector<16xi32>
        %select_n3A_652 = arith.select %lt3A_648, %add3A_651, %xor3A_645 : vector<16xi1>, vector<16xi32>
        %reshape3A_653 = vector.shape_cast %select_n3A_652 : vector<16xi32> to vector<16x1xi32>
        %gather3A_654 = vector.shape_cast %reshape3A_653 : vector<16x1xi32> to vector<16xi32>
        %gather3A_655 = tpu.dynamic_gather %add3A_642[%gather3A_654] in [0] : vector<16xf32>, vector<16xi32> -> vector<16xf32>
        %add3A_656 = arith.addf %add3A_642, %gather3A_655 : vector<16xf32>
        %eq3A_657 = arith.constant 6 : i32
        %eq3A_658 = vector.broadcast %eq3A_657 : i32 to vector<16xi32>
        %eq3A_659 = arith.cmpi eq, %iota3A, %eq3A_658 : vector<16xi32>
        %select_n3A_660 = arith.select %eq3A_659, %add3A_656, %select_n3A_577 : vector<16xi1>, vector<16xf32>
        %add3A_661 = arith.constant 7 : i32
        %add3A_662 = arith.addi %mul3A_58, %add3A_661 : i32
        %get3A_663 = arith.index_cast %add3A_662 : i32 to index
        %get3A_664 = arith.constant 0 : index
        %get3A_665 = tpu.vector_load %arg10[%get3A_663, %get3A_664] {strides = array<i32>} : memref<256x32xf32, #tpu.memory_space<vmem>>, vector<16xf32>,
        %add3A_666 = arith.constant 7 : i32
        %add3A_667 = arith.addi %mul3A_58, %add3A_666 : i32
        %get3A_668 = arith.index_cast %add3A_667 : i32 to index
        %get3A_669 = arith.constant 16 : index
        %get3A_670 = tpu.vector_load %arg10[%get3A_668, %get3A_669] {strides = array<i32>} : memref<256x32xf32, #tpu.memory_space<vmem>>, vector<16xf32>,
        %add3A_671 = arith.constant 7 : i32
        %add3A_672 = arith.addi %add3A_82, %add3A_671 : i32
        %get3A_673 = arith.index_cast %add3A_672 : i32 to index
        %get3A_674 = arith.constant 0 : index
        %get3A_675 = tpu.vector_load %arg9[%get3A_673, %get3A_674] {strides = array<i32>} : memref<2560x32xf32, #tpu.memory_space<vmem>>, vector<16xf32>,
        %add3A_676 = arith.constant 7 : i32
        %add3A_677 = arith.addi %add3A_82, %add3A_676 : i32
        %get3A_678 = arith.index_cast %add3A_677 : i32 to index
        %get3A_679 = arith.constant 16 : index
        %get3A_680 = tpu.vector_load %arg9[%get3A_678, %get3A_679] {strides = array<i32>} : memref<2560x32xf32, #tpu.memory_space<vmem>>, vector<16xf32>,
        %mul3A_681 = arith.mulf %get3A_675, %get3A_665 : vector<16xf32>
        %mul3A_682 = arith.mulf %get3A_680, %get3A_670 : vector<16xf32>
        %add3A_683 = arith.addf %mul3A_681, %mul3A_682 : vector<16xf32>
        %xor3A_684 = arith.constant 8 : i32
        %xor3A_685 = vector.broadcast %xor3A_684 : i32 to vector<16xi32>
        %xor3A_686 = arith.xori %iota3A, %xor3A_685 : vector<16xi32>
        %lt3A_687 = arith.constant 0 : i32
        %lt3A_688 = vector.broadcast %lt3A_687 : i32 to vector<16xi32>
        %lt3A_689 = arith.cmpi slt, %xor3A_686, %lt3A_688 : vector<16xi32>
        %add3A_690 = arith.constant 16 : i32
        %add3A_691 = vector.broadcast %add3A_690 : i32 to vector<16xi32>
        %add3A_692 = arith.addi %xor3A_686, %add3A_691 : vector<16xi32>
        %select_n3A_693 = arith.select %lt3A_689, %add3A_692, %xor3A_686 : vector<16xi1>, vector<16xi32>
        %reshape3A_694 = vector.shape_cast %select_n3A_693 : vector<16xi32> to vector<16x1xi32>
        %gather3A_695 = vector.shape_cast %reshape3A_694 : vector<16x1xi32> to vector<16xi32>
        %gather3A_696 = tpu.dynamic_gather %add3A_683[%gather3A_695] in [0] : vector<16xf32>, vector<16xi32> -> vector<16xf32>
        %add3A_697 = arith.addf %add3A_683, %gather3A_696 : vector<16xf32>
        %xor3A_698 = arith.constant 4 : i32
        %xor3A_699 = vector.broadcast %xor3A_698 : i32 to vector<16xi32>
        %xor3A_700 = arith.xori %iota3A, %xor3A_699 : vector<16xi32>
        %lt3A_701 = arith.constant 0 : i32
        %lt3A_702 = vector.broadcast %lt3A_701 : i32 to vector<16xi32>
        %lt3A_703 = arith.cmpi slt, %xor3A_700, %lt3A_702 : vector<16xi32>
        %add3A_704 = arith.constant 16 : i32
        %add3A_705 = vector.broadcast %add3A_704 : i32 to vector<16xi32>
        %add3A_706 = arith.addi %xor3A_700, %add3A_705 : vector<16xi32>
        %select_n3A_707 = arith.select %lt3A_703, %add3A_706, %xor3A_700 : vector<16xi1>, vector<16xi32>
        %reshape3A_708 = vector.shape_cast %select_n3A_707 : vector<16xi32> to vector<16x1xi32>
        %gather3A_709 = vector.shape_cast %reshape3A_708 : vector<16x1xi32> to vector<16xi32>
        %gather3A_710 = tpu.dynamic_gather %add3A_697[%gather3A_709] in [0] : vector<16xf32>, vector<16xi32> -> vector<16xf32>
        %add3A_711 = arith.addf %add3A_697, %gather3A_710 : vector<16xf32>
        %xor3A_712 = arith.constant 2 : i32
        %xor3A_713 = vector.broadcast %xor3A_712 : i32 to vector<16xi32>
        %xor3A_714 = arith.xori %iota3A, %xor3A_713 : vector<16xi32>
        %lt3A_715 = arith.constant 0 : i32
        %lt3A_716 = vector.broadcast %lt3A_715 : i32 to vector<16xi32>
        %lt3A_717 = arith.cmpi slt, %xor3A_714, %lt3A_716 : vector<16xi32>
        %add3A_718 = arith.constant 16 : i32
        %add3A_719 = vector.broadcast %add3A_718 : i32 to vector<16xi32>
        %add3A_720 = arith.addi %xor3A_714, %add3A_719 : vector<16xi32>
        %select_n3A_721 = arith.select %lt3A_717, %add3A_720, %xor3A_714 : vector<16xi1>, vector<16xi32>
        %reshape3A_722 = vector.shape_cast %select_n3A_721 : vector<16xi32> to vector<16x1xi32>
        %gather3A_723 = vector.shape_cast %reshape3A_722 : vector<16x1xi32> to vector<16xi32>
        %gather3A_724 = tpu.dynamic_gather %add3A_711[%gather3A_723] in [0] : vector<16xf32>, vector<16xi32> -> vector<16xf32>
        %add3A_725 = arith.addf %add3A_711, %gather3A_724 : vector<16xf32>
        %xor3A_726 = arith.constant 1 : i32
        %xor3A_727 = vector.broadcast %xor3A_726 : i32 to vector<16xi32>
        %xor3A_728 = arith.xori %iota3A, %xor3A_727 : vector<16xi32>
        %lt3A_729 = arith.constant 0 : i32
        %lt3A_730 = vector.broadcast %lt3A_729 : i32 to vector<16xi32>
        %lt3A_731 = arith.cmpi slt, %xor3A_728, %lt3A_730 : vector<16xi32>
        %add3A_732 = arith.constant 16 : i32
        %add3A_733 = vector.broadcast %add3A_732 : i32 to vector<16xi32>
        %add3A_734 = arith.addi %xor3A_728, %add3A_733 : vector<16xi32>
        %select_n3A_735 = arith.select %lt3A_731, %add3A_734, %xor3A_728 : vector<16xi1>, vector<16xi32>
        %reshape3A_736 = vector.shape_cast %select_n3A_735 : vector<16xi32> to vector<16x1xi32>
        %gather3A_737 = vector.shape_cast %reshape3A_736 : vector<16x1xi32> to vector<16xi32>
        %gather3A_738 = tpu.dynamic_gather %add3A_725[%gather3A_737] in [0] : vector<16xf32>, vector<16xi32> -> vector<16xf32>
        %add3A_739 = arith.addf %add3A_725, %gather3A_738 : vector<16xf32>
        %eq3A_740 = arith.constant 7 : i32
        %eq3A_741 = vector.broadcast %eq3A_740 : i32 to vector<16xi32>
        %eq3A_742 = arith.cmpi eq, %iota3A, %eq3A_741 : vector<16xi32>
        %select_n3A_743 = arith.select %eq3A_742, %add3A_739, %select_n3A_660 : vector<16xi1>, vector<16xf32>
        %add3A_744 = arith.constant 8 : i32
        %add3A_745 = arith.addi %mul3A_58, %add3A_744 : i32
        %get3A_746 = arith.index_cast %add3A_745 : i32 to index
        %get3A_747 = arith.constant 0 : index
        %get3A_748 = tpu.vector_load %arg10[%get3A_746, %get3A_747] {strides = array<i32>} : memref<256x32xf32, #tpu.memory_space<vmem>>, vector<16xf32>,
        %add3A_749 = arith.constant 8 : i32
        %add3A_750 = arith.addi %mul3A_58, %add3A_749 : i32
        %get3A_751 = arith.index_cast %add3A_750 : i32 to index
        %get3A_752 = arith.constant 16 : index
        %get3A_753 = tpu.vector_load %arg10[%get3A_751, %get3A_752] {strides = array<i32>} : memref<256x32xf32, #tpu.memory_space<vmem>>, vector<16xf32>,
        %add3A_754 = arith.constant 8 : i32
        %add3A_755 = arith.addi %add3A_82, %add3A_754 : i32
        %get3A_756 = arith.index_cast %add3A_755 : i32 to index
        %get3A_757 = arith.constant 0 : index
        %get3A_758 = tpu.vector_load %arg9[%get3A_756, %get3A_757] {strides = array<i32>} : memref<2560x32xf32, #tpu.memory_space<vmem>>, vector<16xf32>,
        %add3A_759 = arith.constant 8 : i32
        %add3A_760 = arith.addi %add3A_82, %add3A_759 : i32
        %get3A_761 = arith.index_cast %add3A_760 : i32 to index
        %get3A_762 = arith.constant 16 : index
        %get3A_763 = tpu.vector_load %arg9[%get3A_761, %get3A_762] {strides = array<i32>} : memref<2560x32xf32, #tpu.memory_space<vmem>>, vector<16xf32>,
        %mul3A_764 = arith.mulf %get3A_758, %get3A_748 : vector<16xf32>
        %mul3A_765 = arith.mulf %get3A_763, %get3A_753 : vector<16xf32>
        %add3A_766 = arith.addf %mul3A_764, %mul3A_765 : vector<16xf32>
        %xor3A_767 = arith.constant 8 : i32
        %xor3A_768 = vector.broadcast %xor3A_767 : i32 to vector<16xi32>
        %xor3A_769 = arith.xori %iota3A, %xor3A_768 : vector<16xi32>
        %lt3A_770 = arith.constant 0 : i32
        %lt3A_771 = vector.broadcast %lt3A_770 : i32 to vector<16xi32>
        %lt3A_772 = arith.cmpi slt, %xor3A_769, %lt3A_771 : vector<16xi32>
        %add3A_773 = arith.constant 16 : i32
        %add3A_774 = vector.broadcast %add3A_773 : i32 to vector<16xi32>
        %add3A_775 = arith.addi %xor3A_769, %add3A_774 : vector<16xi32>
        %select_n3A_776 = arith.select %lt3A_772, %add3A_775, %xor3A_769 : vector<16xi1>, vector<16xi32>
        %reshape3A_777 = vector.shape_cast %select_n3A_776 : vector<16xi32> to vector<16x1xi32>
        %gather3A_778 = vector.shape_cast %reshape3A_777 : vector<16x1xi32> to vector<16xi32>
        %gather3A_779 = tpu.dynamic_gather %add3A_766[%gather3A_778] in [0] : vector<16xf32>, vector<16xi32> -> vector<16xf32>
        %add3A_780 = arith.addf %add3A_766, %gather3A_779 : vector<16xf32>
        %xor3A_781 = arith.constant 4 : i32
        %xor3A_782 = vector.broadcast %xor3A_781 : i32 to vector<16xi32>
        %xor3A_783 = arith.xori %iota3A, %xor3A_782 : vector<16xi32>
        %lt3A_784 = arith.constant 0 : i32
        %lt3A_785 = vector.broadcast %lt3A_784 : i32 to vector<16xi32>
        %lt3A_786 = arith.cmpi slt, %xor3A_783, %lt3A_785 : vector<16xi32>
        %add3A_787 = arith.constant 16 : i32
        %add3A_788 = vector.broadcast %add3A_787 : i32 to vector<16xi32>
        %add3A_789 = arith.addi %xor3A_783, %add3A_788 : vector<16xi32>
        %select_n3A_790 = arith.select %lt3A_786, %add3A_789, %xor3A_783 : vector<16xi1>, vector<16xi32>
        %reshape3A_791 = vector.shape_cast %select_n3A_790 : vector<16xi32> to vector<16x1xi32>
        %gather3A_792 = vector.shape_cast %reshape3A_791 : vector<16x1xi32> to vector<16xi32>
        %gather3A_793 = tpu.dynamic_gather %add3A_780[%gather3A_792] in [0] : vector<16xf32>, vector<16xi32> -> vector<16xf32>
        %add3A_794 = arith.addf %add3A_780, %gather3A_793 : vector<16xf32>
        %xor3A_795 = arith.constant 2 : i32
        %xor3A_796 = vector.broadcast %xor3A_795 : i32 to vector<16xi32>
        %xor3A_797 = arith.xori %iota3A, %xor3A_796 : vector<16xi32>
        %lt3A_798 = arith.constant 0 : i32
        %lt3A_799 = vector.broadcast %lt3A_798 : i32 to vector<16xi32>
        %lt3A_800 = arith.cmpi slt, %xor3A_797, %lt3A_799 : vector<16xi32>
        %add3A_801 = arith.constant 16 : i32
        %add3A_802 = vector.broadcast %add3A_801 : i32 to vector<16xi32>
        %add3A_803 = arith.addi %xor3A_797, %add3A_802 : vector<16xi32>
        %select_n3A_804 = arith.select %lt3A_800, %add3A_803, %xor3A_797 : vector<16xi1>, vector<16xi32>
        %reshape3A_805 = vector.shape_cast %select_n3A_804 : vector<16xi32> to vector<16x1xi32>
        %gather3A_806 = vector.shape_cast %reshape3A_805 : vector<16x1xi32> to vector<16xi32>
        %gather3A_807 = tpu.dynamic_gather %add3A_794[%gather3A_806] in [0] : vector<16xf32>, vector<16xi32> -> vector<16xf32>
        %add3A_808 = arith.addf %add3A_794, %gather3A_807 : vector<16xf32>
        %xor3A_809 = arith.constant 1 : i32
        %xor3A_810 = vector.broadcast %xor3A_809 : i32 to vector<16xi32>
        %xor3A_811 = arith.xori %iota3A, %xor3A_810 : vector<16xi32>
        %lt3A_812 = arith.constant 0 : i32
        %lt3A_813 = vector.broadcast %lt3A_812 : i32 to vector<16xi32>
        %lt3A_814 = arith.cmpi slt, %xor3A_811, %lt3A_813 : vector<16xi32>
        %add3A_815 = arith.constant 16 : i32
        %add3A_816 = vector.broadcast %add3A_815 : i32 to vector<16xi32>
        %add3A_817 = arith.addi %xor3A_811, %add3A_816 : vector<16xi32>
        %select_n3A_818 = arith.select %lt3A_814, %add3A_817, %xor3A_811 : vector<16xi1>, vector<16xi32>
        %reshape3A_819 = vector.shape_cast %select_n3A_818 : vector<16xi32> to vector<16x1xi32>
        %gather3A_820 = vector.shape_cast %reshape3A_819 : vector<16x1xi32> to vector<16xi32>
        %gather3A_821 = tpu.dynamic_gather %add3A_808[%gather3A_820] in [0] : vector<16xf32>, vector<16xi32> -> vector<16xf32>
        %add3A_822 = arith.addf %add3A_808, %gather3A_821 : vector<16xf32>
        %eq3A_823 = arith.constant 8 : i32
        %eq3A_824 = vector.broadcast %eq3A_823 : i32 to vector<16xi32>
        %eq3A_825 = arith.cmpi eq, %iota3A, %eq3A_824 : vector<16xi32>
        %select_n3A_826 = arith.select %eq3A_825, %add3A_822, %select_n3A_743 : vector<16xi1>, vector<16xf32>
        %add3A_827 = arith.constant 9 : i32
        %add3A_828 = arith.addi %mul3A_58, %add3A_827 : i32
        %get3A_829 = arith.index_cast %add3A_828 : i32 to index
        %get3A_830 = arith.constant 0 : index
        %get3A_831 = tpu.vector_load %arg10[%get3A_829, %get3A_830] {strides = array<i32>} : memref<256x32xf32, #tpu.memory_space<vmem>>, vector<16xf32>,
        %add3A_832 = arith.constant 9 : i32
        %add3A_833 = arith.addi %mul3A_58, %add3A_832 : i32
        %get3A_834 = arith.index_cast %add3A_833 : i32 to index
        %get3A_835 = arith.constant 16 : index
        %get3A_836 = tpu.vector_load %arg10[%get3A_834, %get3A_835] {strides = array<i32>} : memref<256x32xf32, #tpu.memory_space<vmem>>, vector<16xf32>,
        %add3A_837 = arith.constant 9 : i32
        %add3A_838 = arith.addi %add3A_82, %add3A_837 : i32
        %get3A_839 = arith.index_cast %add3A_838 : i32 to index
        %get3A_840 = arith.constant 0 : index
        %get3A_841 = tpu.vector_load %arg9[%get3A_839, %get3A_840] {strides = array<i32>} : memref<2560x32xf32, #tpu.memory_space<vmem>>, vector<16xf32>,
        %add3A_842 = arith.constant 9 : i32
        %add3A_843 = arith.addi %add3A_82, %add3A_842 : i32
        %get3A_844 = arith.index_cast %add3A_843 : i32 to index
        %get3A_845 = arith.constant 16 : index
        %get3A_846 = tpu.vector_load %arg9[%get3A_844, %get3A_845] {strides = array<i32>} : memref<2560x32xf32, #tpu.memory_space<vmem>>, vector<16xf32>,
        %mul3A_847 = arith.mulf %get3A_841, %get3A_831 : vector<16xf32>
        %mul3A_848 = arith.mulf %get3A_846, %get3A_836 : vector<16xf32>
        %add3A_849 = arith.addf %mul3A_847, %mul3A_848 : vector<16xf32>
        %xor3A_850 = arith.constant 8 : i32
        %xor3A_851 = vector.broadcast %xor3A_850 : i32 to vector<16xi32>
        %xor3A_852 = arith.xori %iota3A, %xor3A_851 : vector<16xi32>
        %lt3A_853 = arith.constant 0 : i32
        %lt3A_854 = vector.broadcast %lt3A_853 : i32 to vector<16xi32>
        %lt3A_855 = arith.cmpi slt, %xor3A_852, %lt3A_854 : vector<16xi32>
        %add3A_856 = arith.constant 16 : i32
        %add3A_857 = vector.broadcast %add3A_856 : i32 to vector<16xi32>
        %add3A_858 = arith.addi %xor3A_852, %add3A_857 : vector<16xi32>
        %select_n3A_859 = arith.select %lt3A_855, %add3A_858, %xor3A_852 : vector<16xi1>, vector<16xi32>
        %reshape3A_860 = vector.shape_cast %select_n3A_859 : vector<16xi32> to vector<16x1xi32>
        %gather3A_861 = vector.shape_cast %reshape3A_860 : vector<16x1xi32> to vector<16xi32>
        %gather3A_862 = tpu.dynamic_gather %add3A_849[%gather3A_861] in [0] : vector<16xf32>, vector<16xi32> -> vector<16xf32>
        %add3A_863 = arith.addf %add3A_849, %gather3A_862 : vector<16xf32>
        %xor3A_864 = arith.constant 4 : i32
        %xor3A_865 = vector.broadcast %xor3A_864 : i32 to vector<16xi32>
        %xor3A_866 = arith.xori %iota3A, %xor3A_865 : vector<16xi32>
        %lt3A_867 = arith.constant 0 : i32
        %lt3A_868 = vector.broadcast %lt3A_867 : i32 to vector<16xi32>
        %lt3A_869 = arith.cmpi slt, %xor3A_866, %lt3A_868 : vector<16xi32>
        %add3A_870 = arith.constant 16 : i32
        %add3A_871 = vector.broadcast %add3A_870 : i32 to vector<16xi32>
        %add3A_872 = arith.addi %xor3A_866, %add3A_871 : vector<16xi32>
        %select_n3A_873 = arith.select %lt3A_869, %add3A_872, %xor3A_866 : vector<16xi1>, vector<16xi32>
        %reshape3A_874 = vector.shape_cast %select_n3A_873 : vector<16xi32> to vector<16x1xi32>
        %gather3A_875 = vector.shape_cast %reshape3A_874 : vector<16x1xi32> to vector<16xi32>
        %gather3A_876 = tpu.dynamic_gather %add3A_863[%gather3A_875] in [0] : vector<16xf32>, vector<16xi32> -> vector<16xf32>
        %add3A_877 = arith.addf %add3A_863, %gather3A_876 : vector<16xf32>
        %xor3A_878 = arith.constant 2 : i32
        %xor3A_879 = vector.broadcast %xor3A_878 : i32 to vector<16xi32>
        %xor3A_880 = arith.xori %iota3A, %xor3A_879 : vector<16xi32>
        %lt3A_881 = arith.constant 0 : i32
        %lt3A_882 = vector.broadcast %lt3A_881 : i32 to vector<16xi32>
        %lt3A_883 = arith.cmpi slt, %xor3A_880, %lt3A_882 : vector<16xi32>
        %add3A_884 = arith.constant 16 : i32
        %add3A_885 = vector.broadcast %add3A_884 : i32 to vector<16xi32>
        %add3A_886 = arith.addi %xor3A_880, %add3A_885 : vector<16xi32>
        %select_n3A_887 = arith.select %lt3A_883, %add3A_886, %xor3A_880 : vector<16xi1>, vector<16xi32>
        %reshape3A_888 = vector.shape_cast %select_n3A_887 : vector<16xi32> to vector<16x1xi32>
        %gather3A_889 = vector.shape_cast %reshape3A_888 : vector<16x1xi32> to vector<16xi32>
        %gather3A_890 = tpu.dynamic_gather %add3A_877[%gather3A_889] in [0] : vector<16xf32>, vector<16xi32> -> vector<16xf32>
        %add3A_891 = arith.addf %add3A_877, %gather3A_890 : vector<16xf32>
        %xor3A_892 = arith.constant 1 : i32
        %xor3A_893 = vector.broadcast %xor3A_892 : i32 to vector<16xi32>
        %xor3A_894 = arith.xori %iota3A, %xor3A_893 : vector<16xi32>
        %lt3A_895 = arith.constant 0 : i32
        %lt3A_896 = vector.broadcast %lt3A_895 : i32 to vector<16xi32>
        %lt3A_897 = arith.cmpi slt, %xor3A_894, %lt3A_896 : vector<16xi32>
        %add3A_898 = arith.constant 16 : i32
        %add3A_899 = vector.broadcast %add3A_898 : i32 to vector<16xi32>
        %add3A_900 = arith.addi %xor3A_894, %add3A_899 : vector<16xi32>
        %select_n3A_901 = arith.select %lt3A_897, %add3A_900, %xor3A_894 : vector<16xi1>, vector<16xi32>
        %reshape3A_902 = vector.shape_cast %select_n3A_901 : vector<16xi32> to vector<16x1xi32>
        %gather3A_903 = vector.shape_cast %reshape3A_902 : vector<16x1xi32> to vector<16xi32>
        %gather3A_904 = tpu.dynamic_gather %add3A_891[%gather3A_903] in [0] : vector<16xf32>, vector<16xi32> -> vector<16xf32>
        %add3A_905 = arith.addf %add3A_891, %gather3A_904 : vector<16xf32>
        %eq3A_906 = arith.constant 9 : i32
        %eq3A_907 = vector.broadcast %eq3A_906 : i32 to vector<16xi32>
        %eq3A_908 = arith.cmpi eq, %iota3A, %eq3A_907 : vector<16xi32>
        %select_n3A_909 = arith.select %eq3A_908, %add3A_905, %select_n3A_826 : vector<16xi1>, vector<16xf32>
        %add3A_910 = arith.constant 10 : i32
        %add3A_911 = arith.addi %mul3A_58, %add3A_910 : i32
        %get3A_912 = arith.index_cast %add3A_911 : i32 to index
        %get3A_913 = arith.constant 0 : index
        %get3A_914 = tpu.vector_load %arg10[%get3A_912, %get3A_913] {strides = array<i32>} : memref<256x32xf32, #tpu.memory_space<vmem>>, vector<16xf32>,
        %add3A_915 = arith.constant 10 : i32
        %add3A_916 = arith.addi %mul3A_58, %add3A_915 : i32
        %get3A_917 = arith.index_cast %add3A_916 : i32 to index
        %get3A_918 = arith.constant 16 : index
        %get3A_919 = tpu.vector_load %arg10[%get3A_917, %get3A_918] {strides = array<i32>} : memref<256x32xf32, #tpu.memory_space<vmem>>, vector<16xf32>,
        %add3A_920 = arith.constant 10 : i32
        %add3A_921 = arith.addi %add3A_82, %add3A_920 : i32
        %get3A_922 = arith.index_cast %add3A_921 : i32 to index
        %get3A_923 = arith.constant 0 : index
        %get3A_924 = tpu.vector_load %arg9[%get3A_922, %get3A_923] {strides = array<i32>} : memref<2560x32xf32, #tpu.memory_space<vmem>>, vector<16xf32>,
        %add3A_925 = arith.constant 10 : i32
        %add3A_926 = arith.addi %add3A_82, %add3A_925 : i32
        %get3A_927 = arith.index_cast %add3A_926 : i32 to index
        %get3A_928 = arith.constant 16 : index
        %get3A_929 = tpu.vector_load %arg9[%get3A_927, %get3A_928] {strides = array<i32>} : memref<2560x32xf32, #tpu.memory_space<vmem>>, vector<16xf32>,
        %mul3A_930 = arith.mulf %get3A_924, %get3A_914 : vector<16xf32>
        %mul3A_931 = arith.mulf %get3A_929, %get3A_919 : vector<16xf32>
        %add3A_932 = arith.addf %mul3A_930, %mul3A_931 : vector<16xf32>
        %xor3A_933 = arith.constant 8 : i32
        %xor3A_934 = vector.broadcast %xor3A_933 : i32 to vector<16xi32>
        %xor3A_935 = arith.xori %iota3A, %xor3A_934 : vector<16xi32>
        %lt3A_936 = arith.constant 0 : i32
        %lt3A_937 = vector.broadcast %lt3A_936 : i32 to vector<16xi32>
        %lt3A_938 = arith.cmpi slt, %xor3A_935, %lt3A_937 : vector<16xi32>
        %add3A_939 = arith.constant 16 : i32
        %add3A_940 = vector.broadcast %add3A_939 : i32 to vector<16xi32>
        %add3A_941 = arith.addi %xor3A_935, %add3A_940 : vector<16xi32>
        %select_n3A_942 = arith.select %lt3A_938, %add3A_941, %xor3A_935 : vector<16xi1>, vector<16xi32>
        %reshape3A_943 = vector.shape_cast %select_n3A_942 : vector<16xi32> to vector<16x1xi32>
        %gather3A_944 = vector.shape_cast %reshape3A_943 : vector<16x1xi32> to vector<16xi32>
        %gather3A_945 = tpu.dynamic_gather %add3A_932[%gather3A_944] in [0] : vector<16xf32>, vector<16xi32> -> vector<16xf32>
        %add3A_946 = arith.addf %add3A_932, %gather3A_945 : vector<16xf32>
        %xor3A_947 = arith.constant 4 : i32
        %xor3A_948 = vector.broadcast %xor3A_947 : i32 to vector<16xi32>
        %xor3A_949 = arith.xori %iota3A, %xor3A_948 : vector<16xi32>
        %lt3A_950 = arith.constant 0 : i32
        %lt3A_951 = vector.broadcast %lt3A_950 : i32 to vector<16xi32>
        %lt3A_952 = arith.cmpi slt, %xor3A_949, %lt3A_951 : vector<16xi32>
        %add3A_953 = arith.constant 16 : i32
        %add3A_954 = vector.broadcast %add3A_953 : i32 to vector<16xi32>
        %add3A_955 = arith.addi %xor3A_949, %add3A_954 : vector<16xi32>
        %select_n3A_956 = arith.select %lt3A_952, %add3A_955, %xor3A_949 : vector<16xi1>, vector<16xi32>
        %reshape3A_957 = vector.shape_cast %select_n3A_956 : vector<16xi32> to vector<16x1xi32>
        %gather3A_958 = vector.shape_cast %reshape3A_957 : vector<16x1xi32> to vector<16xi32>
        %gather3A_959 = tpu.dynamic_gather %add3A_946[%gather3A_958] in [0] : vector<16xf32>, vector<16xi32> -> vector<16xf32>
        %add3A_960 = arith.addf %add3A_946, %gather3A_959 : vector<16xf32>
        %xor3A_961 = arith.constant 2 : i32
        %xor3A_962 = vector.broadcast %xor3A_961 : i32 to vector<16xi32>
        %xor3A_963 = arith.xori %iota3A, %xor3A_962 : vector<16xi32>
        %lt3A_964 = arith.constant 0 : i32
        %lt3A_965 = vector.broadcast %lt3A_964 : i32 to vector<16xi32>
        %lt3A_966 = arith.cmpi slt, %xor3A_963, %lt3A_965 : vector<16xi32>
        %add3A_967 = arith.constant 16 : i32
        %add3A_968 = vector.broadcast %add3A_967 : i32 to vector<16xi32>
        %add3A_969 = arith.addi %xor3A_963, %add3A_968 : vector<16xi32>
        %select_n3A_970 = arith.select %lt3A_966, %add3A_969, %xor3A_963 : vector<16xi1>, vector<16xi32>
        %reshape3A_971 = vector.shape_cast %select_n3A_970 : vector<16xi32> to vector<16x1xi32>
        %gather3A_972 = vector.shape_cast %reshape3A_971 : vector<16x1xi32> to vector<16xi32>
        %gather3A_973 = tpu.dynamic_gather %add3A_960[%gather3A_972] in [0] : vector<16xf32>, vector<16xi32> -> vector<16xf32>
        %add3A_974 = arith.addf %add3A_960, %gather3A_973 : vector<16xf32>
        %xor3A_975 = arith.constant 1 : i32
        %xor3A_976 = vector.broadcast %xor3A_975 : i32 to vector<16xi32>
        %xor3A_977 = arith.xori %iota3A, %xor3A_976 : vector<16xi32>
        %lt3A_978 = arith.constant 0 : i32
        %lt3A_979 = vector.broadcast %lt3A_978 : i32 to vector<16xi32>
        %lt3A_980 = arith.cmpi slt, %xor3A_977, %lt3A_979 : vector<16xi32>
        %add3A_981 = arith.constant 16 : i32
        %add3A_982 = vector.broadcast %add3A_981 : i32 to vector<16xi32>
        %add3A_983 = arith.addi %xor3A_977, %add3A_982 : vector<16xi32>
        %select_n3A_984 = arith.select %lt3A_980, %add3A_983, %xor3A_977 : vector<16xi1>, vector<16xi32>
        %reshape3A_985 = vector.shape_cast %select_n3A_984 : vector<16xi32> to vector<16x1xi32>
        %gather3A_986 = vector.shape_cast %reshape3A_985 : vector<16x1xi32> to vector<16xi32>
        %gather3A_987 = tpu.dynamic_gather %add3A_974[%gather3A_986] in [0] : vector<16xf32>, vector<16xi32> -> vector<16xf32>
        %add3A_988 = arith.addf %add3A_974, %gather3A_987 : vector<16xf32>
        %eq3A_989 = arith.constant 10 : i32
        %eq3A_990 = vector.broadcast %eq3A_989 : i32 to vector<16xi32>
        %eq3A_991 = arith.cmpi eq, %iota3A, %eq3A_990 : vector<16xi32>
        %select_n3A_992 = arith.select %eq3A_991, %add3A_988, %select_n3A_909 : vector<16xi1>, vector<16xf32>
        %add3A_993 = arith.constant 11 : i32
        %add3A_994 = arith.addi %mul3A_58, %add3A_993 : i32
        %get3A_995 = arith.index_cast %add3A_994 : i32 to index
        %get3A_996 = arith.constant 0 : index
        %get3A_997 = tpu.vector_load %arg10[%get3A_995, %get3A_996] {strides = array<i32>} : memref<256x32xf32, #tpu.memory_space<vmem>>, vector<16xf32>,
        %add3A_998 = arith.constant 11 : i32
        %add3A_999 = arith.addi %mul3A_58, %add3A_998 : i32
        %get3A_1000 = arith.index_cast %add3A_999 : i32 to index
        %get3A_1001 = arith.constant 16 : index
        %get3A_1002 = tpu.vector_load %arg10[%get3A_1000, %get3A_1001] {strides = array<i32>} : memref<256x32xf32, #tpu.memory_space<vmem>>, vector<16xf32>,
        %add3A_1003 = arith.constant 11 : i32
        %add3A_1004 = arith.addi %add3A_82, %add3A_1003 : i32
        %get3A_1005 = arith.index_cast %add3A_1004 : i32 to index
        %get3A_1006 = arith.constant 0 : index
        %get3A_1007 = tpu.vector_load %arg9[%get3A_1005, %get3A_1006] {strides = array<i32>} : memref<2560x32xf32, #tpu.memory_space<vmem>>, vector<16xf32>,
        %add3A_1008 = arith.constant 11 : i32
        %add3A_1009 = arith.addi %add3A_82, %add3A_1008 : i32
        %get3A_1010 = arith.index_cast %add3A_1009 : i32 to index
        %get3A_1011 = arith.constant 16 : index
        %get3A_1012 = tpu.vector_load %arg9[%get3A_1010, %get3A_1011] {strides = array<i32>} : memref<2560x32xf32, #tpu.memory_space<vmem>>, vector<16xf32>,
        %mul3A_1013 = arith.mulf %get3A_1007, %get3A_997 : vector<16xf32>
        %mul3A_1014 = arith.mulf %get3A_1012, %get3A_1002 : vector<16xf32>
        %add3A_1015 = arith.addf %mul3A_1013, %mul3A_1014 : vector<16xf32>
        %xor3A_1016 = arith.constant 8 : i32
        %xor3A_1017 = vector.broadcast %xor3A_1016 : i32 to vector<16xi32>
        %xor3A_1018 = arith.xori %iota3A, %xor3A_1017 : vector<16xi32>
        %lt3A_1019 = arith.constant 0 : i32
        %lt3A_1020 = vector.broadcast %lt3A_1019 : i32 to vector<16xi32>
        %lt3A_1021 = arith.cmpi slt, %xor3A_1018, %lt3A_1020 : vector<16xi32>
        %add3A_1022 = arith.constant 16 : i32
        %add3A_1023 = vector.broadcast %add3A_1022 : i32 to vector<16xi32>
        %add3A_1024 = arith.addi %xor3A_1018, %add3A_1023 : vector<16xi32>
        %select_n3A_1025 = arith.select %lt3A_1021, %add3A_1024, %xor3A_1018 : vector<16xi1>, vector<16xi32>
        %reshape3A_1026 = vector.shape_cast %select_n3A_1025 : vector<16xi32> to vector<16x1xi32>
        %gather3A_1027 = vector.shape_cast %reshape3A_1026 : vector<16x1xi32> to vector<16xi32>
        %gather3A_1028 = tpu.dynamic_gather %add3A_1015[%gather3A_1027] in [0] : vector<16xf32>, vector<16xi32> -> vector<16xf32>
        %add3A_1029 = arith.addf %add3A_1015, %gather3A_1028 : vector<16xf32>
        %xor3A_1030 = arith.constant 4 : i32
        %xor3A_1031 = vector.broadcast %xor3A_1030 : i32 to vector<16xi32>
        %xor3A_1032 = arith.xori %iota3A, %xor3A_1031 : vector<16xi32>
        %lt3A_1033 = arith.constant 0 : i32
        %lt3A_1034 = vector.broadcast %lt3A_1033 : i32 to vector<16xi32>
        %lt3A_1035 = arith.cmpi slt, %xor3A_1032, %lt3A_1034 : vector<16xi32>
        %add3A_1036 = arith.constant 16 : i32
        %add3A_1037 = vector.broadcast %add3A_1036 : i32 to vector<16xi32>
        %add3A_1038 = arith.addi %xor3A_1032, %add3A_1037 : vector<16xi32>
        %select_n3A_1039 = arith.select %lt3A_1035, %add3A_1038, %xor3A_1032 : vector<16xi1>, vector<16xi32>
        %reshape3A_1040 = vector.shape_cast %select_n3A_1039 : vector<16xi32> to vector<16x1xi32>
        %gather3A_1041 = vector.shape_cast %reshape3A_1040 : vector<16x1xi32> to vector<16xi32>
        %gather3A_1042 = tpu.dynamic_gather %add3A_1029[%gather3A_1041] in [0] : vector<16xf32>, vector<16xi32> -> vector<16xf32>
        %add3A_1043 = arith.addf %add3A_1029, %gather3A_1042 : vector<16xf32>
        %xor3A_1044 = arith.constant 2 : i32
        %xor3A_1045 = vector.broadcast %xor3A_1044 : i32 to vector<16xi32>
        %xor3A_1046 = arith.xori %iota3A, %xor3A_1045 : vector<16xi32>
        %lt3A_1047 = arith.constant 0 : i32
        %lt3A_1048 = vector.broadcast %lt3A_1047 : i32 to vector<16xi32>
        %lt3A_1049 = arith.cmpi slt, %xor3A_1046, %lt3A_1048 : vector<16xi32>
        %add3A_1050 = arith.constant 16 : i32
        %add3A_1051 = vector.broadcast %add3A_1050 : i32 to vector<16xi32>
        %add3A_1052 = arith.addi %xor3A_1046, %add3A_1051 : vector<16xi32>
        %select_n3A_1053 = arith.select %lt3A_1049, %add3A_1052, %xor3A_1046 : vector<16xi1>, vector<16xi32>
        %reshape3A_1054 = vector.shape_cast %select_n3A_1053 : vector<16xi32> to vector<16x1xi32>
        %gather3A_1055 = vector.shape_cast %reshape3A_1054 : vector<16x1xi32> to vector<16xi32>
        %gather3A_1056 = tpu.dynamic_gather %add3A_1043[%gather3A_1055] in [0] : vector<16xf32>, vector<16xi32> -> vector<16xf32>
        %add3A_1057 = arith.addf %add3A_1043, %gather3A_1056 : vector<16xf32>
        %xor3A_1058 = arith.constant 1 : i32
        %xor3A_1059 = vector.broadcast %xor3A_1058 : i32 to vector<16xi32>
        %xor3A_1060 = arith.xori %iota3A, %xor3A_1059 : vector<16xi32>
        %lt3A_1061 = arith.constant 0 : i32
        %lt3A_1062 = vector.broadcast %lt3A_1061 : i32 to vector<16xi32>
        %lt3A_1063 = arith.cmpi slt, %xor3A_1060, %lt3A_1062 : vector<16xi32>
        %add3A_1064 = arith.constant 16 : i32
        %add3A_1065 = vector.broadcast %add3A_1064 : i32 to vector<16xi32>
        %add3A_1066 = arith.addi %xor3A_1060, %add3A_1065 : vector<16xi32>
        %select_n3A_1067 = arith.select %lt3A_1063, %add3A_1066, %xor3A_1060 : vector<16xi1>, vector<16xi32>
        %reshape3A_1068 = vector.shape_cast %select_n3A_1067 : vector<16xi32> to vector<16x1xi32>
        %gather3A_1069 = vector.shape_cast %reshape3A_1068 : vector<16x1xi32> to vector<16xi32>
        %gather3A_1070 = tpu.dynamic_gather %add3A_1057[%gather3A_1069] in [0] : vector<16xf32>, vector<16xi32> -> vector<16xf32>
        %add3A_1071 = arith.addf %add3A_1057, %gather3A_1070 : vector<16xf32>
        %eq3A_1072 = arith.constant 11 : i32
        %eq3A_1073 = vector.broadcast %eq3A_1072 : i32 to vector<16xi32>
        %eq3A_1074 = arith.cmpi eq, %iota3A, %eq3A_1073 : vector<16xi32>
        %select_n3A_1075 = arith.select %eq3A_1074, %add3A_1071, %select_n3A_992 : vector<16xi1>, vector<16xf32>
        %add3A_1076 = arith.constant 12 : i32
        %add3A_1077 = arith.addi %mul3A_58, %add3A_1076 : i32
        %get3A_1078 = arith.index_cast %add3A_1077 : i32 to index
        %get3A_1079 = arith.constant 0 : index
        %get3A_1080 = tpu.vector_load %arg10[%get3A_1078, %get3A_1079] {strides = array<i32>} : memref<256x32xf32, #tpu.memory_space<vmem>>, vector<16xf32>,
        %add3A_1081 = arith.constant 12 : i32
        %add3A_1082 = arith.addi %mul3A_58, %add3A_1081 : i32
        %get3A_1083 = arith.index_cast %add3A_1082 : i32 to index
        %get3A_1084 = arith.constant 16 : index
        %get3A_1085 = tpu.vector_load %arg10[%get3A_1083, %get3A_1084] {strides = array<i32>} : memref<256x32xf32, #tpu.memory_space<vmem>>, vector<16xf32>,
        %add3A_1086 = arith.constant 12 : i32
        %add3A_1087 = arith.addi %add3A_82, %add3A_1086 : i32
        %get3A_1088 = arith.index_cast %add3A_1087 : i32 to index
        %get3A_1089 = arith.constant 0 : index
        %get3A_1090 = tpu.vector_load %arg9[%get3A_1088, %get3A_1089] {strides = array<i32>} : memref<2560x32xf32, #tpu.memory_space<vmem>>, vector<16xf32>,
        %add3A_1091 = arith.constant 12 : i32
        %add3A_1092 = arith.addi %add3A_82, %add3A_1091 : i32
        %get3A_1093 = arith.index_cast %add3A_1092 : i32 to index
        %get3A_1094 = arith.constant 16 : index
        %get3A_1095 = tpu.vector_load %arg9[%get3A_1093, %get3A_1094] {strides = array<i32>} : memref<2560x32xf32, #tpu.memory_space<vmem>>, vector<16xf32>,
        %mul3A_1096 = arith.mulf %get3A_1090, %get3A_1080 : vector<16xf32>
        %mul3A_1097 = arith.mulf %get3A_1095, %get3A_1085 : vector<16xf32>
        %add3A_1098 = arith.addf %mul3A_1096, %mul3A_1097 : vector<16xf32>
        %xor3A_1099 = arith.constant 8 : i32
        %xor3A_1100 = vector.broadcast %xor3A_1099 : i32 to vector<16xi32>
        %xor3A_1101 = arith.xori %iota3A, %xor3A_1100 : vector<16xi32>
        %lt3A_1102 = arith.constant 0 : i32
        %lt3A_1103 = vector.broadcast %lt3A_1102 : i32 to vector<16xi32>
        %lt3A_1104 = arith.cmpi slt, %xor3A_1101, %lt3A_1103 : vector<16xi32>
        %add3A_1105 = arith.constant 16 : i32
        %add3A_1106 = vector.broadcast %add3A_1105 : i32 to vector<16xi32>
        %add3A_1107 = arith.addi %xor3A_1101, %add3A_1106 : vector<16xi32>
        %select_n3A_1108 = arith.select %lt3A_1104, %add3A_1107, %xor3A_1101 : vector<16xi1>, vector<16xi32>
        %reshape3A_1109 = vector.shape_cast %select_n3A_1108 : vector<16xi32> to vector<16x1xi32>
        %gather3A_1110 = vector.shape_cast %reshape3A_1109 : vector<16x1xi32> to vector<16xi32>
        %gather3A_1111 = tpu.dynamic_gather %add3A_1098[%gather3A_1110] in [0] : vector<16xf32>, vector<16xi32> -> vector<16xf32>
        %add3A_1112 = arith.addf %add3A_1098, %gather3A_1111 : vector<16xf32>
        %xor3A_1113 = arith.constant 4 : i32
        %xor3A_1114 = vector.broadcast %xor3A_1113 : i32 to vector<16xi32>
        %xor3A_1115 = arith.xori %iota3A, %xor3A_1114 : vector<16xi32>
        %lt3A_1116 = arith.constant 0 : i32
        %lt3A_1117 = vector.broadcast %lt3A_1116 : i32 to vector<16xi32>
        %lt3A_1118 = arith.cmpi slt, %xor3A_1115, %lt3A_1117 : vector<16xi32>
        %add3A_1119 = arith.constant 16 : i32
        %add3A_1120 = vector.broadcast %add3A_1119 : i32 to vector<16xi32>
        %add3A_1121 = arith.addi %xor3A_1115, %add3A_1120 : vector<16xi32>
        %select_n3A_1122 = arith.select %lt3A_1118, %add3A_1121, %xor3A_1115 : vector<16xi1>, vector<16xi32>
        %reshape3A_1123 = vector.shape_cast %select_n3A_1122 : vector<16xi32> to vector<16x1xi32>
        %gather3A_1124 = vector.shape_cast %reshape3A_1123 : vector<16x1xi32> to vector<16xi32>
        %gather3A_1125 = tpu.dynamic_gather %add3A_1112[%gather3A_1124] in [0] : vector<16xf32>, vector<16xi32> -> vector<16xf32>
        %add3A_1126 = arith.addf %add3A_1112, %gather3A_1125 : vector<16xf32>
        %xor3A_1127 = arith.constant 2 : i32
        %xor3A_1128 = vector.broadcast %xor3A_1127 : i32 to vector<16xi32>
        %xor3A_1129 = arith.xori %iota3A, %xor3A_1128 : vector<16xi32>
        %lt3A_1130 = arith.constant 0 : i32
        %lt3A_1131 = vector.broadcast %lt3A_1130 : i32 to vector<16xi32>
        %lt3A_1132 = arith.cmpi slt, %xor3A_1129, %lt3A_1131 : vector<16xi32>
        %add3A_1133 = arith.constant 16 : i32
        %add3A_1134 = vector.broadcast %add3A_1133 : i32 to vector<16xi32>
        %add3A_1135 = arith.addi %xor3A_1129, %add3A_1134 : vector<16xi32>
        %select_n3A_1136 = arith.select %lt3A_1132, %add3A_1135, %xor3A_1129 : vector<16xi1>, vector<16xi32>
        %reshape3A_1137 = vector.shape_cast %select_n3A_1136 : vector<16xi32> to vector<16x1xi32>
        %gather3A_1138 = vector.shape_cast %reshape3A_1137 : vector<16x1xi32> to vector<16xi32>
        %gather3A_1139 = tpu.dynamic_gather %add3A_1126[%gather3A_1138] in [0] : vector<16xf32>, vector<16xi32> -> vector<16xf32>
        %add3A_1140 = arith.addf %add3A_1126, %gather3A_1139 : vector<16xf32>
        %xor3A_1141 = arith.constant 1 : i32
        %xor3A_1142 = vector.broadcast %xor3A_1141 : i32 to vector<16xi32>
        %xor3A_1143 = arith.xori %iota3A, %xor3A_1142 : vector<16xi32>
        %lt3A_1144 = arith.constant 0 : i32
        %lt3A_1145 = vector.broadcast %lt3A_1144 : i32 to vector<16xi32>
        %lt3A_1146 = arith.cmpi slt, %xor3A_1143, %lt3A_1145 : vector<16xi32>
        %add3A_1147 = arith.constant 16 : i32
        %add3A_1148 = vector.broadcast %add3A_1147 : i32 to vector<16xi32>
        %add3A_1149 = arith.addi %xor3A_1143, %add3A_1148 : vector<16xi32>
        %select_n3A_1150 = arith.select %lt3A_1146, %add3A_1149, %xor3A_1143 : vector<16xi1>, vector<16xi32>
        %reshape3A_1151 = vector.shape_cast %select_n3A_1150 : vector<16xi32> to vector<16x1xi32>
        %gather3A_1152 = vector.shape_cast %reshape3A_1151 : vector<16x1xi32> to vector<16xi32>
        %gather3A_1153 = tpu.dynamic_gather %add3A_1140[%gather3A_1152] in [0] : vector<16xf32>, vector<16xi32> -> vector<16xf32>
        %add3A_1154 = arith.addf %add3A_1140, %gather3A_1153 : vector<16xf32>
        %eq3A_1155 = arith.constant 12 : i32
        %eq3A_1156 = vector.broadcast %eq3A_1155 : i32 to vector<16xi32>
        %eq3A_1157 = arith.cmpi eq, %iota3A, %eq3A_1156 : vector<16xi32>
        %select_n3A_1158 = arith.select %eq3A_1157, %add3A_1154, %select_n3A_1075 : vector<16xi1>, vector<16xf32>
        %add3A_1159 = arith.constant 13 : i32
        %add3A_1160 = arith.addi %mul3A_58, %add3A_1159 : i32
        %get3A_1161 = arith.index_cast %add3A_1160 : i32 to index
        %get3A_1162 = arith.constant 0 : index
        %get3A_1163 = tpu.vector_load %arg10[%get3A_1161, %get3A_1162] {strides = array<i32>} : memref<256x32xf32, #tpu.memory_space<vmem>>, vector<16xf32>,
        %add3A_1164 = arith.constant 13 : i32
        %add3A_1165 = arith.addi %mul3A_58, %add3A_1164 : i32
        %get3A_1166 = arith.index_cast %add3A_1165 : i32 to index
        %get3A_1167 = arith.constant 16 : index
        %get3A_1168 = tpu.vector_load %arg10[%get3A_1166, %get3A_1167] {strides = array<i32>} : memref<256x32xf32, #tpu.memory_space<vmem>>, vector<16xf32>,
        %add3A_1169 = arith.constant 13 : i32
        %add3A_1170 = arith.addi %add3A_82, %add3A_1169 : i32
        %get3A_1171 = arith.index_cast %add3A_1170 : i32 to index
        %get3A_1172 = arith.constant 0 : index
        %get3A_1173 = tpu.vector_load %arg9[%get3A_1171, %get3A_1172] {strides = array<i32>} : memref<2560x32xf32, #tpu.memory_space<vmem>>, vector<16xf32>,
        %add3A_1174 = arith.constant 13 : i32
        %add3A_1175 = arith.addi %add3A_82, %add3A_1174 : i32
        %get3A_1176 = arith.index_cast %add3A_1175 : i32 to index
        %get3A_1177 = arith.constant 16 : index
        %get3A_1178 = tpu.vector_load %arg9[%get3A_1176, %get3A_1177] {strides = array<i32>} : memref<2560x32xf32, #tpu.memory_space<vmem>>, vector<16xf32>,
        %mul3A_1179 = arith.mulf %get3A_1173, %get3A_1163 : vector<16xf32>
        %mul3A_1180 = arith.mulf %get3A_1178, %get3A_1168 : vector<16xf32>
        %add3A_1181 = arith.addf %mul3A_1179, %mul3A_1180 : vector<16xf32>
        %xor3A_1182 = arith.constant 8 : i32
        %xor3A_1183 = vector.broadcast %xor3A_1182 : i32 to vector<16xi32>
        %xor3A_1184 = arith.xori %iota3A, %xor3A_1183 : vector<16xi32>
        %lt3A_1185 = arith.constant 0 : i32
        %lt3A_1186 = vector.broadcast %lt3A_1185 : i32 to vector<16xi32>
        %lt3A_1187 = arith.cmpi slt, %xor3A_1184, %lt3A_1186 : vector<16xi32>
        %add3A_1188 = arith.constant 16 : i32
        %add3A_1189 = vector.broadcast %add3A_1188 : i32 to vector<16xi32>
        %add3A_1190 = arith.addi %xor3A_1184, %add3A_1189 : vector<16xi32>
        %select_n3A_1191 = arith.select %lt3A_1187, %add3A_1190, %xor3A_1184 : vector<16xi1>, vector<16xi32>
        %reshape3A_1192 = vector.shape_cast %select_n3A_1191 : vector<16xi32> to vector<16x1xi32>
        %gather3A_1193 = vector.shape_cast %reshape3A_1192 : vector<16x1xi32> to vector<16xi32>
        %gather3A_1194 = tpu.dynamic_gather %add3A_1181[%gather3A_1193] in [0] : vector<16xf32>, vector<16xi32> -> vector<16xf32>
        %add3A_1195 = arith.addf %add3A_1181, %gather3A_1194 : vector<16xf32>
        %xor3A_1196 = arith.constant 4 : i32
        %xor3A_1197 = vector.broadcast %xor3A_1196 : i32 to vector<16xi32>
        %xor3A_1198 = arith.xori %iota3A, %xor3A_1197 : vector<16xi32>
        %lt3A_1199 = arith.constant 0 : i32
        %lt3A_1200 = vector.broadcast %lt3A_1199 : i32 to vector<16xi32>
        %lt3A_1201 = arith.cmpi slt, %xor3A_1198, %lt3A_1200 : vector<16xi32>
        %add3A_1202 = arith.constant 16 : i32
        %add3A_1203 = vector.broadcast %add3A_1202 : i32 to vector<16xi32>
        %add3A_1204 = arith.addi %xor3A_1198, %add3A_1203 : vector<16xi32>
        %select_n3A_1205 = arith.select %lt3A_1201, %add3A_1204, %xor3A_1198 : vector<16xi1>, vector<16xi32>
        %reshape3A_1206 = vector.shape_cast %select_n3A_1205 : vector<16xi32> to vector<16x1xi32>
        %gather3A_1207 = vector.shape_cast %reshape3A_1206 : vector<16x1xi32> to vector<16xi32>
        %gather3A_1208 = tpu.dynamic_gather %add3A_1195[%gather3A_1207] in [0] : vector<16xf32>, vector<16xi32> -> vector<16xf32>
        %add3A_1209 = arith.addf %add3A_1195, %gather3A_1208 : vector<16xf32>
        %xor3A_1210 = arith.constant 2 : i32
        %xor3A_1211 = vector.broadcast %xor3A_1210 : i32 to vector<16xi32>
        %xor3A_1212 = arith.xori %iota3A, %xor3A_1211 : vector<16xi32>
        %lt3A_1213 = arith.constant 0 : i32
        %lt3A_1214 = vector.broadcast %lt3A_1213 : i32 to vector<16xi32>
        %lt3A_1215 = arith.cmpi slt, %xor3A_1212, %lt3A_1214 : vector<16xi32>
        %add3A_1216 = arith.constant 16 : i32
        %add3A_1217 = vector.broadcast %add3A_1216 : i32 to vector<16xi32>
        %add3A_1218 = arith.addi %xor3A_1212, %add3A_1217 : vector<16xi32>
        %select_n3A_1219 = arith.select %lt3A_1215, %add3A_1218, %xor3A_1212 : vector<16xi1>, vector<16xi32>
        %reshape3A_1220 = vector.shape_cast %select_n3A_1219 : vector<16xi32> to vector<16x1xi32>
        %gather3A_1221 = vector.shape_cast %reshape3A_1220 : vector<16x1xi32> to vector<16xi32>
        %gather3A_1222 = tpu.dynamic_gather %add3A_1209[%gather3A_1221] in [0] : vector<16xf32>, vector<16xi32> -> vector<16xf32>
        %add3A_1223 = arith.addf %add3A_1209, %gather3A_1222 : vector<16xf32>
        %xor3A_1224 = arith.constant 1 : i32
        %xor3A_1225 = vector.broadcast %xor3A_1224 : i32 to vector<16xi32>
        %xor3A_1226 = arith.xori %iota3A, %xor3A_1225 : vector<16xi32>
        %lt3A_1227 = arith.constant 0 : i32
        %lt3A_1228 = vector.broadcast %lt3A_1227 : i32 to vector<16xi32>
        %lt3A_1229 = arith.cmpi slt, %xor3A_1226, %lt3A_1228 : vector<16xi32>
        %add3A_1230 = arith.constant 16 : i32
        %add3A_1231 = vector.broadcast %add3A_1230 : i32 to vector<16xi32>
        %add3A_1232 = arith.addi %xor3A_1226, %add3A_1231 : vector<16xi32>
        %select_n3A_1233 = arith.select %lt3A_1229, %add3A_1232, %xor3A_1226 : vector<16xi1>, vector<16xi32>
        %reshape3A_1234 = vector.shape_cast %select_n3A_1233 : vector<16xi32> to vector<16x1xi32>
        %gather3A_1235 = vector.shape_cast %reshape3A_1234 : vector<16x1xi32> to vector<16xi32>
        %gather3A_1236 = tpu.dynamic_gather %add3A_1223[%gather3A_1235] in [0] : vector<16xf32>, vector<16xi32> -> vector<16xf32>
        %add3A_1237 = arith.addf %add3A_1223, %gather3A_1236 : vector<16xf32>
        %eq3A_1238 = arith.constant 13 : i32
        %eq3A_1239 = vector.broadcast %eq3A_1238 : i32 to vector<16xi32>
        %eq3A_1240 = arith.cmpi eq, %iota3A, %eq3A_1239 : vector<16xi32>
        %select_n3A_1241 = arith.select %eq3A_1240, %add3A_1237, %select_n3A_1158 : vector<16xi1>, vector<16xf32>
        %add3A_1242 = arith.constant 14 : i32
        %add3A_1243 = arith.addi %mul3A_58, %add3A_1242 : i32
        %get3A_1244 = arith.index_cast %add3A_1243 : i32 to index
        %get3A_1245 = arith.constant 0 : index
        %get3A_1246 = tpu.vector_load %arg10[%get3A_1244, %get3A_1245] {strides = array<i32>} : memref<256x32xf32, #tpu.memory_space<vmem>>, vector<16xf32>,
        %add3A_1247 = arith.constant 14 : i32
        %add3A_1248 = arith.addi %mul3A_58, %add3A_1247 : i32
        %get3A_1249 = arith.index_cast %add3A_1248 : i32 to index
        %get3A_1250 = arith.constant 16 : index
        %get3A_1251 = tpu.vector_load %arg10[%get3A_1249, %get3A_1250] {strides = array<i32>} : memref<256x32xf32, #tpu.memory_space<vmem>>, vector<16xf32>,
        %add3A_1252 = arith.constant 14 : i32
        %add3A_1253 = arith.addi %add3A_82, %add3A_1252 : i32
        %get3A_1254 = arith.index_cast %add3A_1253 : i32 to index
        %get3A_1255 = arith.constant 0 : index
        %get3A_1256 = tpu.vector_load %arg9[%get3A_1254, %get3A_1255] {strides = array<i32>} : memref<2560x32xf32, #tpu.memory_space<vmem>>, vector<16xf32>,
        %add3A_1257 = arith.constant 14 : i32
        %add3A_1258 = arith.addi %add3A_82, %add3A_1257 : i32
        %get3A_1259 = arith.index_cast %add3A_1258 : i32 to index
        %get3A_1260 = arith.constant 16 : index
        %get3A_1261 = tpu.vector_load %arg9[%get3A_1259, %get3A_1260] {strides = array<i32>} : memref<2560x32xf32, #tpu.memory_space<vmem>>, vector<16xf32>,
        %mul3A_1262 = arith.mulf %get3A_1256, %get3A_1246 : vector<16xf32>
        %mul3A_1263 = arith.mulf %get3A_1261, %get3A_1251 : vector<16xf32>
        %add3A_1264 = arith.addf %mul3A_1262, %mul3A_1263 : vector<16xf32>
        %xor3A_1265 = arith.constant 8 : i32
        %xor3A_1266 = vector.broadcast %xor3A_1265 : i32 to vector<16xi32>
        %xor3A_1267 = arith.xori %iota3A, %xor3A_1266 : vector<16xi32>
        %lt3A_1268 = arith.constant 0 : i32
        %lt3A_1269 = vector.broadcast %lt3A_1268 : i32 to vector<16xi32>
        %lt3A_1270 = arith.cmpi slt, %xor3A_1267, %lt3A_1269 : vector<16xi32>
        %add3A_1271 = arith.constant 16 : i32
        %add3A_1272 = vector.broadcast %add3A_1271 : i32 to vector<16xi32>
        %add3A_1273 = arith.addi %xor3A_1267, %add3A_1272 : vector<16xi32>
        %select_n3A_1274 = arith.select %lt3A_1270, %add3A_1273, %xor3A_1267 : vector<16xi1>, vector<16xi32>
        %reshape3A_1275 = vector.shape_cast %select_n3A_1274 : vector<16xi32> to vector<16x1xi32>
        %gather3A_1276 = vector.shape_cast %reshape3A_1275 : vector<16x1xi32> to vector<16xi32>
        %gather3A_1277 = tpu.dynamic_gather %add3A_1264[%gather3A_1276] in [0] : vector<16xf32>, vector<16xi32> -> vector<16xf32>
        %add3A_1278 = arith.addf %add3A_1264, %gather3A_1277 : vector<16xf32>
        %xor3A_1279 = arith.constant 4 : i32
        %xor3A_1280 = vector.broadcast %xor3A_1279 : i32 to vector<16xi32>
        %xor3A_1281 = arith.xori %iota3A, %xor3A_1280 : vector<16xi32>
        %lt3A_1282 = arith.constant 0 : i32
        %lt3A_1283 = vector.broadcast %lt3A_1282 : i32 to vector<16xi32>
        %lt3A_1284 = arith.cmpi slt, %xor3A_1281, %lt3A_1283 : vector<16xi32>
        %add3A_1285 = arith.constant 16 : i32
        %add3A_1286 = vector.broadcast %add3A_1285 : i32 to vector<16xi32>
        %add3A_1287 = arith.addi %xor3A_1281, %add3A_1286 : vector<16xi32>
        %select_n3A_1288 = arith.select %lt3A_1284, %add3A_1287, %xor3A_1281 : vector<16xi1>, vector<16xi32>
        %reshape3A_1289 = vector.shape_cast %select_n3A_1288 : vector<16xi32> to vector<16x1xi32>
        %gather3A_1290 = vector.shape_cast %reshape3A_1289 : vector<16x1xi32> to vector<16xi32>
        %gather3A_1291 = tpu.dynamic_gather %add3A_1278[%gather3A_1290] in [0] : vector<16xf32>, vector<16xi32> -> vector<16xf32>
        %add3A_1292 = arith.addf %add3A_1278, %gather3A_1291 : vector<16xf32>
        %xor3A_1293 = arith.constant 2 : i32
        %xor3A_1294 = vector.broadcast %xor3A_1293 : i32 to vector<16xi32>
        %xor3A_1295 = arith.xori %iota3A, %xor3A_1294 : vector<16xi32>
        %lt3A_1296 = arith.constant 0 : i32
        %lt3A_1297 = vector.broadcast %lt3A_1296 : i32 to vector<16xi32>
        %lt3A_1298 = arith.cmpi slt, %xor3A_1295, %lt3A_1297 : vector<16xi32>
        %add3A_1299 = arith.constant 16 : i32
        %add3A_1300 = vector.broadcast %add3A_1299 : i32 to vector<16xi32>
        %add3A_1301 = arith.addi %xor3A_1295, %add3A_1300 : vector<16xi32>
        %select_n3A_1302 = arith.select %lt3A_1298, %add3A_1301, %xor3A_1295 : vector<16xi1>, vector<16xi32>
        %reshape3A_1303 = vector.shape_cast %select_n3A_1302 : vector<16xi32> to vector<16x1xi32>
        %gather3A_1304 = vector.shape_cast %reshape3A_1303 : vector<16x1xi32> to vector<16xi32>
        %gather3A_1305 = tpu.dynamic_gather %add3A_1292[%gather3A_1304] in [0] : vector<16xf32>, vector<16xi32> -> vector<16xf32>
        %add3A_1306 = arith.addf %add3A_1292, %gather3A_1305 : vector<16xf32>
        %xor3A_1307 = arith.constant 1 : i32
        %xor3A_1308 = vector.broadcast %xor3A_1307 : i32 to vector<16xi32>
        %xor3A_1309 = arith.xori %iota3A, %xor3A_1308 : vector<16xi32>
        %lt3A_1310 = arith.constant 0 : i32
        %lt3A_1311 = vector.broadcast %lt3A_1310 : i32 to vector<16xi32>
        %lt3A_1312 = arith.cmpi slt, %xor3A_1309, %lt3A_1311 : vector<16xi32>
        %add3A_1313 = arith.constant 16 : i32
        %add3A_1314 = vector.broadcast %add3A_1313 : i32 to vector<16xi32>
        %add3A_1315 = arith.addi %xor3A_1309, %add3A_1314 : vector<16xi32>
        %select_n3A_1316 = arith.select %lt3A_1312, %add3A_1315, %xor3A_1309 : vector<16xi1>, vector<16xi32>
        %reshape3A_1317 = vector.shape_cast %select_n3A_1316 : vector<16xi32> to vector<16x1xi32>
        %gather3A_1318 = vector.shape_cast %reshape3A_1317 : vector<16x1xi32> to vector<16xi32>
        %gather3A_1319 = tpu.dynamic_gather %add3A_1306[%gather3A_1318] in [0] : vector<16xf32>, vector<16xi32> -> vector<16xf32>
        %add3A_1320 = arith.addf %add3A_1306, %gather3A_1319 : vector<16xf32>
        %eq3A_1321 = arith.constant 14 : i32
        %eq3A_1322 = vector.broadcast %eq3A_1321 : i32 to vector<16xi32>
        %eq3A_1323 = arith.cmpi eq, %iota3A, %eq3A_1322 : vector<16xi32>
        %select_n3A_1324 = arith.select %eq3A_1323, %add3A_1320, %select_n3A_1241 : vector<16xi1>, vector<16xf32>
        %add3A_1325 = arith.constant 15 : i32
        %add3A_1326 = arith.addi %mul3A_58, %add3A_1325 : i32
        %get3A_1327 = arith.index_cast %add3A_1326 : i32 to index
        %get3A_1328 = arith.constant 0 : index
        %get3A_1329 = tpu.vector_load %arg10[%get3A_1327, %get3A_1328] {strides = array<i32>} : memref<256x32xf32, #tpu.memory_space<vmem>>, vector<16xf32>,
        %add3A_1330 = arith.constant 15 : i32
        %add3A_1331 = arith.addi %mul3A_58, %add3A_1330 : i32
        %get3A_1332 = arith.index_cast %add3A_1331 : i32 to index
        %get3A_1333 = arith.constant 16 : index
        %get3A_1334 = tpu.vector_load %arg10[%get3A_1332, %get3A_1333] {strides = array<i32>} : memref<256x32xf32, #tpu.memory_space<vmem>>, vector<16xf32>,
        %add3A_1335 = arith.constant 15 : i32
        %add3A_1336 = arith.addi %add3A_82, %add3A_1335 : i32
        %get3A_1337 = arith.index_cast %add3A_1336 : i32 to index
        %get3A_1338 = arith.constant 0 : index
        %get3A_1339 = tpu.vector_load %arg9[%get3A_1337, %get3A_1338] {strides = array<i32>} : memref<2560x32xf32, #tpu.memory_space<vmem>>, vector<16xf32>,
        %add3A_1340 = arith.constant 15 : i32
        %add3A_1341 = arith.addi %add3A_82, %add3A_1340 : i32
        %get3A_1342 = arith.index_cast %add3A_1341 : i32 to index
        %get3A_1343 = arith.constant 16 : index
        %get3A_1344 = tpu.vector_load %arg9[%get3A_1342, %get3A_1343] {strides = array<i32>} : memref<2560x32xf32, #tpu.memory_space<vmem>>, vector<16xf32>,
        %mul3A_1345 = arith.mulf %get3A_1339, %get3A_1329 : vector<16xf32>
        %mul3A_1346 = arith.mulf %get3A_1344, %get3A_1334 : vector<16xf32>
        %add3A_1347 = arith.addf %mul3A_1345, %mul3A_1346 : vector<16xf32>
        %xor3A_1348 = arith.constant 8 : i32
        %xor3A_1349 = vector.broadcast %xor3A_1348 : i32 to vector<16xi32>
        %xor3A_1350 = arith.xori %iota3A, %xor3A_1349 : vector<16xi32>
        %lt3A_1351 = arith.constant 0 : i32
        %lt3A_1352 = vector.broadcast %lt3A_1351 : i32 to vector<16xi32>
        %lt3A_1353 = arith.cmpi slt, %xor3A_1350, %lt3A_1352 : vector<16xi32>
        %add3A_1354 = arith.constant 16 : i32
        %add3A_1355 = vector.broadcast %add3A_1354 : i32 to vector<16xi32>
        %add3A_1356 = arith.addi %xor3A_1350, %add3A_1355 : vector<16xi32>
        %select_n3A_1357 = arith.select %lt3A_1353, %add3A_1356, %xor3A_1350 : vector<16xi1>, vector<16xi32>
        %reshape3A_1358 = vector.shape_cast %select_n3A_1357 : vector<16xi32> to vector<16x1xi32>
        %gather3A_1359 = vector.shape_cast %reshape3A_1358 : vector<16x1xi32> to vector<16xi32>
        %gather3A_1360 = tpu.dynamic_gather %add3A_1347[%gather3A_1359] in [0] : vector<16xf32>, vector<16xi32> -> vector<16xf32>
        %add3A_1361 = arith.addf %add3A_1347, %gather3A_1360 : vector<16xf32>
        %xor3A_1362 = arith.constant 4 : i32
        %xor3A_1363 = vector.broadcast %xor3A_1362 : i32 to vector<16xi32>
        %xor3A_1364 = arith.xori %iota3A, %xor3A_1363 : vector<16xi32>
        %lt3A_1365 = arith.constant 0 : i32
        %lt3A_1366 = vector.broadcast %lt3A_1365 : i32 to vector<16xi32>
        %lt3A_1367 = arith.cmpi slt, %xor3A_1364, %lt3A_1366 : vector<16xi32>
        %add3A_1368 = arith.constant 16 : i32
        %add3A_1369 = vector.broadcast %add3A_1368 : i32 to vector<16xi32>
        %add3A_1370 = arith.addi %xor3A_1364, %add3A_1369 : vector<16xi32>
        %select_n3A_1371 = arith.select %lt3A_1367, %add3A_1370, %xor3A_1364 : vector<16xi1>, vector<16xi32>
        %reshape3A_1372 = vector.shape_cast %select_n3A_1371 : vector<16xi32> to vector<16x1xi32>
        %gather3A_1373 = vector.shape_cast %reshape3A_1372 : vector<16x1xi32> to vector<16xi32>
        %gather3A_1374 = tpu.dynamic_gather %add3A_1361[%gather3A_1373] in [0] : vector<16xf32>, vector<16xi32> -> vector<16xf32>
        %add3A_1375 = arith.addf %add3A_1361, %gather3A_1374 : vector<16xf32>
        %xor3A_1376 = arith.constant 2 : i32
        %xor3A_1377 = vector.broadcast %xor3A_1376 : i32 to vector<16xi32>
        %xor3A_1378 = arith.xori %iota3A, %xor3A_1377 : vector<16xi32>
        %lt3A_1379 = arith.constant 0 : i32
        %lt3A_1380 = vector.broadcast %lt3A_1379 : i32 to vector<16xi32>
        %lt3A_1381 = arith.cmpi slt, %xor3A_1378, %lt3A_1380 : vector<16xi32>
        %add3A_1382 = arith.constant 16 : i32
        %add3A_1383 = vector.broadcast %add3A_1382 : i32 to vector<16xi32>
        %add3A_1384 = arith.addi %xor3A_1378, %add3A_1383 : vector<16xi32>
        %select_n3A_1385 = arith.select %lt3A_1381, %add3A_1384, %xor3A_1378 : vector<16xi1>, vector<16xi32>
        %reshape3A_1386 = vector.shape_cast %select_n3A_1385 : vector<16xi32> to vector<16x1xi32>
        %gather3A_1387 = vector.shape_cast %reshape3A_1386 : vector<16x1xi32> to vector<16xi32>
        %gather3A_1388 = tpu.dynamic_gather %add3A_1375[%gather3A_1387] in [0] : vector<16xf32>, vector<16xi32> -> vector<16xf32>
        %add3A_1389 = arith.addf %add3A_1375, %gather3A_1388 : vector<16xf32>
        %xor3A_1390 = arith.constant 1 : i32
        %xor3A_1391 = vector.broadcast %xor3A_1390 : i32 to vector<16xi32>
        %xor3A_1392 = arith.xori %iota3A, %xor3A_1391 : vector<16xi32>
        %lt3A_1393 = arith.constant 0 : i32
        %lt3A_1394 = vector.broadcast %lt3A_1393 : i32 to vector<16xi32>
        %lt3A_1395 = arith.cmpi slt, %xor3A_1392, %lt3A_1394 : vector<16xi32>
        %add3A_1396 = arith.constant 16 : i32
        %add3A_1397 = vector.broadcast %add3A_1396 : i32 to vector<16xi32>
        %add3A_1398 = arith.addi %xor3A_1392, %add3A_1397 : vector<16xi32>
        %select_n3A_1399 = arith.select %lt3A_1395, %add3A_1398, %xor3A_1392 : vector<16xi1>, vector<16xi32>
        %reshape3A_1400 = vector.shape_cast %select_n3A_1399 : vector<16xi32> to vector<16x1xi32>
        %gather3A_1401 = vector.shape_cast %reshape3A_1400 : vector<16x1xi32> to vector<16xi32>
        %gather3A_1402 = tpu.dynamic_gather %add3A_1389[%gather3A_1401] in [0] : vector<16xf32>, vector<16xi32> -> vector<16xf32>
        %add3A_1403 = arith.addf %add3A_1389, %gather3A_1402 : vector<16xf32>
        %eq3A_1404 = arith.constant 15 : i32
        %eq3A_1405 = vector.broadcast %eq3A_1404 : i32 to vector<16xi32>
        %eq3A_1406 = arith.cmpi eq, %iota3A, %eq3A_1405 : vector<16xi32>
        %select_n3A_1407 = arith.select %eq3A_1406, %add3A_1403, %select_n3A_1324 : vector<16xi1>, vector<16xf32>
        %swap3A = arith.index_cast %add3A_82 : i32 to index
        %swap3A_1408 = tpu.vector_load %arg11[%swap3A] {strides = array<i32>} : memref<2560xf32, #tpu.memory_space<vmem>>, vector<16xf32>,
        tpu.vector_store %arg11[%swap3A], %select_n3A_1407 {strides = array<i32>} : memref<2560xf32, #tpu.memory_space<vmem>>, vector<16xf32>,
      }
      %scan3A_36 = arith.constant 160 : i32
      %run_scoped3A_37 = arith.constant 0 : i32
      "tpu.region"() ({
        %run_scoped3A_47 = tpu.sem_alloc : memref<!tpu.dma_semaphore, #tpu.memory_space<semaphore_mem>>
        %dma_start3A_48 = arith.constant 0 : i32
        %dma_start3A_49 = tpu.memref_slice %arg11[%dma_start3A_48] : memref<2560xf32, #tpu.memory_space<vmem>> -> memref<256xf32, #tpu.memory_space<vmem>>
        %dma_start3A_50 = tpu.memref_slice %arg6[%run_scoped3A_37, %add3A_11] : memref<10x16384xf32, #tpu.memory_space<hbm>> -> memref<1x256xf32, #tpu.memory_space<hbm>>
        %dma_start3A_51 = tpu.memref_squeeze %dma_start3A_50 : memref<1x256xf32, #tpu.memory_space<hbm>> -> memref<256xf32, #tpu.memory_space<hbm>>
        %dma_start3A_52 = tpu.memref_slice %arg6[%run_scoped3A_37, %add3A_11] : memref<10x16384xf32, #tpu.memory_space<hbm>> -> memref<1x256xf32, #tpu.memory_space<hbm>>
        %dma_start3A_53 = tpu.memref_squeeze %dma_start3A_52 : memref<1x256xf32, #tpu.memory_space<hbm>> -> memref<256xf32, #tpu.memory_space<hbm>>
        %dma_start3A_54 = arith.constant 0 : i32
        %dma_start3A_55 = tpu.memref_slice %arg11[%dma_start3A_54] : memref<2560xf32, #tpu.memory_space<vmem>> -> memref<256xf32, #tpu.memory_space<vmem>>
        tpu.enqueue_dma source(%dma_start3A_55 : memref<256xf32, #tpu.memory_space<vmem>>) target(%dma_start3A_53 : memref<256xf32, #tpu.memory_space<hbm>>) target_semaphore(%run_scoped3A_47 : memref<!tpu.dma_semaphore, #tpu.memory_space<semaphore_mem>>)
        %dma_wait3A_56 = arith.constant 0 : i32
        %dma_wait3A_57 = tpu.memref_slice %arg11[%dma_wait3A_56] : memref<2560xf32, #tpu.memory_space<vmem>> -> memref<256xf32, #tpu.memory_space<vmem>>
        %dma_wait3A_58 = tpu.memref_slice %arg6[%run_scoped3A_37, %add3A_11] : memref<10x16384xf32, #tpu.memory_space<hbm>> -> memref<1x256xf32, #tpu.memory_space<hbm>>
        %dma_wait3A_59 = tpu.memref_squeeze %dma_wait3A_58 : memref<1x256xf32, #tpu.memory_space<hbm>> -> memref<256xf32, #tpu.memory_space<hbm>>
        %dma_wait3A_60 = tpu.memref_slice %arg6[%run_scoped3A_37, %add3A_11] : memref<10x16384xf32, #tpu.memory_space<hbm>> -> memref<1x256xf32, #tpu.memory_space<hbm>>
        %dma_wait3A_61 = tpu.memref_squeeze %dma_wait3A_60 : memref<1x256xf32, #tpu.memory_space<hbm>> -> memref<256xf32, #tpu.memory_space<hbm>>
        %dma_wait3A_62 = arith.constant 0 : i32
        %dma_wait3A_63 = tpu.memref_slice %arg11[%dma_wait3A_62] : memref<2560xf32, #tpu.memory_space<vmem>> -> memref<256xf32, #tpu.memory_space<vmem>>
        tpu.wait_dma2 semaphore(%run_scoped3A_47 : memref<!tpu.dma_semaphore, #tpu.memory_space<semaphore_mem>>) src(%dma_wait3A_63 : memref<256xf32, #tpu.memory_space<vmem>>) dst(%dma_wait3A_61 : memref<256xf32, #tpu.memory_space<hbm>>)
        tpu.yield
      }) : () -> ()
      %run_scoped3A_38 = arith.constant 1 : i32
      "tpu.region"() ({
        %run_scoped3A_47 = tpu.sem_alloc : memref<!tpu.dma_semaphore, #tpu.memory_space<semaphore_mem>>
        %dma_start3A_48 = arith.constant 256 : i32
        %dma_start3A_49 = tpu.memref_slice %arg11[%dma_start3A_48] : memref<2560xf32, #tpu.memory_space<vmem>> -> memref<256xf32, #tpu.memory_space<vmem>>
        %dma_start3A_50 = tpu.memref_slice %arg6[%run_scoped3A_38, %add3A_11] : memref<10x16384xf32, #tpu.memory_space<hbm>> -> memref<1x256xf32, #tpu.memory_space<hbm>>
        %dma_start3A_51 = tpu.memref_squeeze %dma_start3A_50 : memref<1x256xf32, #tpu.memory_space<hbm>> -> memref<256xf32, #tpu.memory_space<hbm>>
        %dma_start3A_52 = tpu.memref_slice %arg6[%run_scoped3A_38, %add3A_11] : memref<10x16384xf32, #tpu.memory_space<hbm>> -> memref<1x256xf32, #tpu.memory_space<hbm>>
        %dma_start3A_53 = tpu.memref_squeeze %dma_start3A_52 : memref<1x256xf32, #tpu.memory_space<hbm>> -> memref<256xf32, #tpu.memory_space<hbm>>
        %dma_start3A_54 = arith.constant 256 : i32
        %dma_start3A_55 = tpu.memref_slice %arg11[%dma_start3A_54] : memref<2560xf32, #tpu.memory_space<vmem>> -> memref<256xf32, #tpu.memory_space<vmem>>
        tpu.enqueue_dma source(%dma_start3A_55 : memref<256xf32, #tpu.memory_space<vmem>>) target(%dma_start3A_53 : memref<256xf32, #tpu.memory_space<hbm>>) target_semaphore(%run_scoped3A_47 : memref<!tpu.dma_semaphore, #tpu.memory_space<semaphore_mem>>)
        %dma_wait3A_56 = arith.constant 256 : i32
        %dma_wait3A_57 = tpu.memref_slice %arg11[%dma_wait3A_56] : memref<2560xf32, #tpu.memory_space<vmem>> -> memref<256xf32, #tpu.memory_space<vmem>>
        %dma_wait3A_58 = tpu.memref_slice %arg6[%run_scoped3A_38, %add3A_11] : memref<10x16384xf32, #tpu.memory_space<hbm>> -> memref<1x256xf32, #tpu.memory_space<hbm>>
        %dma_wait3A_59 = tpu.memref_squeeze %dma_wait3A_58 : memref<1x256xf32, #tpu.memory_space<hbm>> -> memref<256xf32, #tpu.memory_space<hbm>>
        %dma_wait3A_60 = tpu.memref_slice %arg6[%run_scoped3A_38, %add3A_11] : memref<10x16384xf32, #tpu.memory_space<hbm>> -> memref<1x256xf32, #tpu.memory_space<hbm>>
        %dma_wait3A_61 = tpu.memref_squeeze %dma_wait3A_60 : memref<1x256xf32, #tpu.memory_space<hbm>> -> memref<256xf32, #tpu.memory_space<hbm>>
        %dma_wait3A_62 = arith.constant 256 : i32
        %dma_wait3A_63 = tpu.memref_slice %arg11[%dma_wait3A_62] : memref<2560xf32, #tpu.memory_space<vmem>> -> memref<256xf32, #tpu.memory_space<vmem>>
        tpu.wait_dma2 semaphore(%run_scoped3A_47 : memref<!tpu.dma_semaphore, #tpu.memory_space<semaphore_mem>>) src(%dma_wait3A_63 : memref<256xf32, #tpu.memory_space<vmem>>) dst(%dma_wait3A_61 : memref<256xf32, #tpu.memory_space<hbm>>)
        tpu.yield
      }) : () -> ()
      %run_scoped3A_39 = arith.constant 2 : i32
      "tpu.region"() ({
        %run_scoped3A_47 = tpu.sem_alloc : memref<!tpu.dma_semaphore, #tpu.memory_space<semaphore_mem>>
        %dma_start3A_48 = arith.constant 512 : i32
        %dma_start3A_49 = tpu.memref_slice %arg11[%dma_start3A_48] : memref<2560xf32, #tpu.memory_space<vmem>> -> memref<256xf32, #tpu.memory_space<vmem>>
        %dma_start3A_50 = tpu.memref_slice %arg6[%run_scoped3A_39, %add3A_11] : memref<10x16384xf32, #tpu.memory_space<hbm>> -> memref<1x256xf32, #tpu.memory_space<hbm>>
        %dma_start3A_51 = tpu.memref_squeeze %dma_start3A_50 : memref<1x256xf32, #tpu.memory_space<hbm>> -> memref<256xf32, #tpu.memory_space<hbm>>
        %dma_start3A_52 = tpu.memref_slice %arg6[%run_scoped3A_39, %add3A_11] : memref<10x16384xf32, #tpu.memory_space<hbm>> -> memref<1x256xf32, #tpu.memory_space<hbm>>
        %dma_start3A_53 = tpu.memref_squeeze %dma_start3A_52 : memref<1x256xf32, #tpu.memory_space<hbm>> -> memref<256xf32, #tpu.memory_space<hbm>>
        %dma_start3A_54 = arith.constant 512 : i32
        %dma_start3A_55 = tpu.memref_slice %arg11[%dma_start3A_54] : memref<2560xf32, #tpu.memory_space<vmem>> -> memref<256xf32, #tpu.memory_space<vmem>>
        tpu.enqueue_dma source(%dma_start3A_55 : memref<256xf32, #tpu.memory_space<vmem>>) target(%dma_start3A_53 : memref<256xf32, #tpu.memory_space<hbm>>) target_semaphore(%run_scoped3A_47 : memref<!tpu.dma_semaphore, #tpu.memory_space<semaphore_mem>>)
        %dma_wait3A_56 = arith.constant 512 : i32
        %dma_wait3A_57 = tpu.memref_slice %arg11[%dma_wait3A_56] : memref<2560xf32, #tpu.memory_space<vmem>> -> memref<256xf32, #tpu.memory_space<vmem>>
        %dma_wait3A_58 = tpu.memref_slice %arg6[%run_scoped3A_39, %add3A_11] : memref<10x16384xf32, #tpu.memory_space<hbm>> -> memref<1x256xf32, #tpu.memory_space<hbm>>
        %dma_wait3A_59 = tpu.memref_squeeze %dma_wait3A_58 : memref<1x256xf32, #tpu.memory_space<hbm>> -> memref<256xf32, #tpu.memory_space<hbm>>
        %dma_wait3A_60 = tpu.memref_slice %arg6[%run_scoped3A_39, %add3A_11] : memref<10x16384xf32, #tpu.memory_space<hbm>> -> memref<1x256xf32, #tpu.memory_space<hbm>>
        %dma_wait3A_61 = tpu.memref_squeeze %dma_wait3A_60 : memref<1x256xf32, #tpu.memory_space<hbm>> -> memref<256xf32, #tpu.memory_space<hbm>>
        %dma_wait3A_62 = arith.constant 512 : i32
        %dma_wait3A_63 = tpu.memref_slice %arg11[%dma_wait3A_62] : memref<2560xf32, #tpu.memory_space<vmem>> -> memref<256xf32, #tpu.memory_space<vmem>>
        tpu.wait_dma2 semaphore(%run_scoped3A_47 : memref<!tpu.dma_semaphore, #tpu.memory_space<semaphore_mem>>) src(%dma_wait3A_63 : memref<256xf32, #tpu.memory_space<vmem>>) dst(%dma_wait3A_61 : memref<256xf32, #tpu.memory_space<hbm>>)
        tpu.yield
      }) : () -> ()
      %run_scoped3A_40 = arith.constant 3 : i32
      "tpu.region"() ({
        %run_scoped3A_47 = tpu.sem_alloc : memref<!tpu.dma_semaphore, #tpu.memory_space<semaphore_mem>>
        %dma_start3A_48 = arith.constant 768 : i32
        %dma_start3A_49 = tpu.memref_slice %arg11[%dma_start3A_48] : memref<2560xf32, #tpu.memory_space<vmem>> -> memref<256xf32, #tpu.memory_space<vmem>>
        %dma_start3A_50 = tpu.memref_slice %arg6[%run_scoped3A_40, %add3A_11] : memref<10x16384xf32, #tpu.memory_space<hbm>> -> memref<1x256xf32, #tpu.memory_space<hbm>>
        %dma_start3A_51 = tpu.memref_squeeze %dma_start3A_50 : memref<1x256xf32, #tpu.memory_space<hbm>> -> memref<256xf32, #tpu.memory_space<hbm>>
        %dma_start3A_52 = tpu.memref_slice %arg6[%run_scoped3A_40, %add3A_11] : memref<10x16384xf32, #tpu.memory_space<hbm>> -> memref<1x256xf32, #tpu.memory_space<hbm>>
        %dma_start3A_53 = tpu.memref_squeeze %dma_start3A_52 : memref<1x256xf32, #tpu.memory_space<hbm>> -> memref<256xf32, #tpu.memory_space<hbm>>
        %dma_start3A_54 = arith.constant 768 : i32
        %dma_start3A_55 = tpu.memref_slice %arg11[%dma_start3A_54] : memref<2560xf32, #tpu.memory_space<vmem>> -> memref<256xf32, #tpu.memory_space<vmem>>
        tpu.enqueue_dma source(%dma_start3A_55 : memref<256xf32, #tpu.memory_space<vmem>>) target(%dma_start3A_53 : memref<256xf32, #tpu.memory_space<hbm>>) target_semaphore(%run_scoped3A_47 : memref<!tpu.dma_semaphore, #tpu.memory_space<semaphore_mem>>)
        %dma_wait3A_56 = arith.constant 768 : i32
        %dma_wait3A_57 = tpu.memref_slice %arg11[%dma_wait3A_56] : memref<2560xf32, #tpu.memory_space<vmem>> -> memref<256xf32, #tpu.memory_space<vmem>>
        %dma_wait3A_58 = tpu.memref_slice %arg6[%run_scoped3A_40, %add3A_11] : memref<10x16384xf32, #tpu.memory_space<hbm>> -> memref<1x256xf32, #tpu.memory_space<hbm>>
        %dma_wait3A_59 = tpu.memref_squeeze %dma_wait3A_58 : memref<1x256xf32, #tpu.memory_space<hbm>> -> memref<256xf32, #tpu.memory_space<hbm>>
        %dma_wait3A_60 = tpu.memref_slice %arg6[%run_scoped3A_40, %add3A_11] : memref<10x16384xf32, #tpu.memory_space<hbm>> -> memref<1x256xf32, #tpu.memory_space<hbm>>
        %dma_wait3A_61 = tpu.memref_squeeze %dma_wait3A_60 : memref<1x256xf32, #tpu.memory_space<hbm>> -> memref<256xf32, #tpu.memory_space<hbm>>
        %dma_wait3A_62 = arith.constant 768 : i32
        %dma_wait3A_63 = tpu.memref_slice %arg11[%dma_wait3A_62] : memref<2560xf32, #tpu.memory_space<vmem>> -> memref<256xf32, #tpu.memory_space<vmem>>
        tpu.wait_dma2 semaphore(%run_scoped3A_47 : memref<!tpu.dma_semaphore, #tpu.memory_space<semaphore_mem>>) src(%dma_wait3A_63 : memref<256xf32, #tpu.memory_space<vmem>>) dst(%dma_wait3A_61 : memref<256xf32, #tpu.memory_space<hbm>>)
        tpu.yield
      }) : () -> ()
      %run_scoped3A_41 = arith.constant 4 : i32
      "tpu.region"() ({
        %run_scoped3A_47 = tpu.sem_alloc : memref<!tpu.dma_semaphore, #tpu.memory_space<semaphore_mem>>
        %dma_start3A_48 = arith.constant 1024 : i32
        %dma_start3A_49 = tpu.memref_slice %arg11[%dma_start3A_48] : memref<2560xf32, #tpu.memory_space<vmem>> -> memref<256xf32, #tpu.memory_space<vmem>>
        %dma_start3A_50 = tpu.memref_slice %arg6[%run_scoped3A_41, %add3A_11] : memref<10x16384xf32, #tpu.memory_space<hbm>> -> memref<1x256xf32, #tpu.memory_space<hbm>>
        %dma_start3A_51 = tpu.memref_squeeze %dma_start3A_50 : memref<1x256xf32, #tpu.memory_space<hbm>> -> memref<256xf32, #tpu.memory_space<hbm>>
        %dma_start3A_52 = tpu.memref_slice %arg6[%run_scoped3A_41, %add3A_11] : memref<10x16384xf32, #tpu.memory_space<hbm>> -> memref<1x256xf32, #tpu.memory_space<hbm>>
        %dma_start3A_53 = tpu.memref_squeeze %dma_start3A_52 : memref<1x256xf32, #tpu.memory_space<hbm>> -> memref<256xf32, #tpu.memory_space<hbm>>
        %dma_start3A_54 = arith.constant 1024 : i32
        %dma_start3A_55 = tpu.memref_slice %arg11[%dma_start3A_54] : memref<2560xf32, #tpu.memory_space<vmem>> -> memref<256xf32, #tpu.memory_space<vmem>>
        tpu.enqueue_dma source(%dma_start3A_55 : memref<256xf32, #tpu.memory_space<vmem>>) target(%dma_start3A_53 : memref<256xf32, #tpu.memory_space<hbm>>) target_semaphore(%run_scoped3A_47 : memref<!tpu.dma_semaphore, #tpu.memory_space<semaphore_mem>>)
        %dma_wait3A_56 = arith.constant 1024 : i32
        %dma_wait3A_57 = tpu.memref_slice %arg11[%dma_wait3A_56] : memref<2560xf32, #tpu.memory_space<vmem>> -> memref<256xf32, #tpu.memory_space<vmem>>
        %dma_wait3A_58 = tpu.memref_slice %arg6[%run_scoped3A_41, %add3A_11] : memref<10x16384xf32, #tpu.memory_space<hbm>> -> memref<1x256xf32, #tpu.memory_space<hbm>>
        %dma_wait3A_59 = tpu.memref_squeeze %dma_wait3A_58 : memref<1x256xf32, #tpu.memory_space<hbm>> -> memref<256xf32, #tpu.memory_space<hbm>>
        %dma_wait3A_60 = tpu.memref_slice %arg6[%run_scoped3A_41, %add3A_11] : memref<10x16384xf32, #tpu.memory_space<hbm>> -> memref<1x256xf32, #tpu.memory_space<hbm>>
        %dma_wait3A_61 = tpu.memref_squeeze %dma_wait3A_60 : memref<1x256xf32, #tpu.memory_space<hbm>> -> memref<256xf32, #tpu.memory_space<hbm>>
        %dma_wait3A_62 = arith.constant 1024 : i32
        %dma_wait3A_63 = tpu.memref_slice %arg11[%dma_wait3A_62] : memref<2560xf32, #tpu.memory_space<vmem>> -> memref<256xf32, #tpu.memory_space<vmem>>
        tpu.wait_dma2 semaphore(%run_scoped3A_47 : memref<!tpu.dma_semaphore, #tpu.memory_space<semaphore_mem>>) src(%dma_wait3A_63 : memref<256xf32, #tpu.memory_space<vmem>>) dst(%dma_wait3A_61 : memref<256xf32, #tpu.memory_space<hbm>>)
        tpu.yield
      }) : () -> ()
      %run_scoped3A_42 = arith.constant 5 : i32
      "tpu.region"() ({
        %run_scoped3A_47 = tpu.sem_alloc : memref<!tpu.dma_semaphore, #tpu.memory_space<semaphore_mem>>
        %dma_start3A_48 = arith.constant 1280 : i32
        %dma_start3A_49 = tpu.memref_slice %arg11[%dma_start3A_48] : memref<2560xf32, #tpu.memory_space<vmem>> -> memref<256xf32, #tpu.memory_space<vmem>>
        %dma_start3A_50 = tpu.memref_slice %arg6[%run_scoped3A_42, %add3A_11] : memref<10x16384xf32, #tpu.memory_space<hbm>> -> memref<1x256xf32, #tpu.memory_space<hbm>>
        %dma_start3A_51 = tpu.memref_squeeze %dma_start3A_50 : memref<1x256xf32, #tpu.memory_space<hbm>> -> memref<256xf32, #tpu.memory_space<hbm>>
        %dma_start3A_52 = tpu.memref_slice %arg6[%run_scoped3A_42, %add3A_11] : memref<10x16384xf32, #tpu.memory_space<hbm>> -> memref<1x256xf32, #tpu.memory_space<hbm>>
        %dma_start3A_53 = tpu.memref_squeeze %dma_start3A_52 : memref<1x256xf32, #tpu.memory_space<hbm>> -> memref<256xf32, #tpu.memory_space<hbm>>
        %dma_start3A_54 = arith.constant 1280 : i32
        %dma_start3A_55 = tpu.memref_slice %arg11[%dma_start3A_54] : memref<2560xf32, #tpu.memory_space<vmem>> -> memref<256xf32, #tpu.memory_space<vmem>>
        tpu.enqueue_dma source(%dma_start3A_55 : memref<256xf32, #tpu.memory_space<vmem>>) target(%dma_start3A_53 : memref<256xf32, #tpu.memory_space<hbm>>) target_semaphore(%run_scoped3A_47 : memref<!tpu.dma_semaphore, #tpu.memory_space<semaphore_mem>>)
        %dma_wait3A_56 = arith.constant 1280 : i32
        %dma_wait3A_57 = tpu.memref_slice %arg11[%dma_wait3A_56] : memref<2560xf32, #tpu.memory_space<vmem>> -> memref<256xf32, #tpu.memory_space<vmem>>
        %dma_wait3A_58 = tpu.memref_slice %arg6[%run_scoped3A_42, %add3A_11] : memref<10x16384xf32, #tpu.memory_space<hbm>> -> memref<1x256xf32, #tpu.memory_space<hbm>>
        %dma_wait3A_59 = tpu.memref_squeeze %dma_wait3A_58 : memref<1x256xf32, #tpu.memory_space<hbm>> -> memref<256xf32, #tpu.memory_space<hbm>>
        %dma_wait3A_60 = tpu.memref_slice %arg6[%run_scoped3A_42, %add3A_11] : memref<10x16384xf32, #tpu.memory_space<hbm>> -> memref<1x256xf32, #tpu.memory_space<hbm>>
        %dma_wait3A_61 = tpu.memref_squeeze %dma_wait3A_60 : memref<1x256xf32, #tpu.memory_space<hbm>> -> memref<256xf32, #tpu.memory_space<hbm>>
        %dma_wait3A_62 = arith.constant 1280 : i32
        %dma_wait3A_63 = tpu.memref_slice %arg11[%dma_wait3A_62] : memref<2560xf32, #tpu.memory_space<vmem>> -> memref<256xf32, #tpu.memory_space<vmem>>
        tpu.wait_dma2 semaphore(%run_scoped3A_47 : memref<!tpu.dma_semaphore, #tpu.memory_space<semaphore_mem>>) src(%dma_wait3A_63 : memref<256xf32, #tpu.memory_space<vmem>>) dst(%dma_wait3A_61 : memref<256xf32, #tpu.memory_space<hbm>>)
        tpu.yield
      }) : () -> ()
      %run_scoped3A_43 = arith.constant 6 : i32
      "tpu.region"() ({
        %run_scoped3A_47 = tpu.sem_alloc : memref<!tpu.dma_semaphore, #tpu.memory_space<semaphore_mem>>
        %dma_start3A_48 = arith.constant 1536 : i32
        %dma_start3A_49 = tpu.memref_slice %arg11[%dma_start3A_48] : memref<2560xf32, #tpu.memory_space<vmem>> -> memref<256xf32, #tpu.memory_space<vmem>>
        %dma_start3A_50 = tpu.memref_slice %arg6[%run_scoped3A_43, %add3A_11] : memref<10x16384xf32, #tpu.memory_space<hbm>> -> memref<1x256xf32, #tpu.memory_space<hbm>>
        %dma_start3A_51 = tpu.memref_squeeze %dma_start3A_50 : memref<1x256xf32, #tpu.memory_space<hbm>> -> memref<256xf32, #tpu.memory_space<hbm>>
        %dma_start3A_52 = tpu.memref_slice %arg6[%run_scoped3A_43, %add3A_11] : memref<10x16384xf32, #tpu.memory_space<hbm>> -> memref<1x256xf32, #tpu.memory_space<hbm>>
        %dma_start3A_53 = tpu.memref_squeeze %dma_start3A_52 : memref<1x256xf32, #tpu.memory_space<hbm>> -> memref<256xf32, #tpu.memory_space<hbm>>
        %dma_start3A_54 = arith.constant 1536 : i32
        %dma_start3A_55 = tpu.memref_slice %arg11[%dma_start3A_54] : memref<2560xf32, #tpu.memory_space<vmem>> -> memref<256xf32, #tpu.memory_space<vmem>>
        tpu.enqueue_dma source(%dma_start3A_55 : memref<256xf32, #tpu.memory_space<vmem>>) target(%dma_start3A_53 : memref<256xf32, #tpu.memory_space<hbm>>) target_semaphore(%run_scoped3A_47 : memref<!tpu.dma_semaphore, #tpu.memory_space<semaphore_mem>>)
        %dma_wait3A_56 = arith.constant 1536 : i32
        %dma_wait3A_57 = tpu.memref_slice %arg11[%dma_wait3A_56] : memref<2560xf32, #tpu.memory_space<vmem>> -> memref<256xf32, #tpu.memory_space<vmem>>
        %dma_wait3A_58 = tpu.memref_slice %arg6[%run_scoped3A_43, %add3A_11] : memref<10x16384xf32, #tpu.memory_space<hbm>> -> memref<1x256xf32, #tpu.memory_space<hbm>>
        %dma_wait3A_59 = tpu.memref_squeeze %dma_wait3A_58 : memref<1x256xf32, #tpu.memory_space<hbm>> -> memref<256xf32, #tpu.memory_space<hbm>>
        %dma_wait3A_60 = tpu.memref_slice %arg6[%run_scoped3A_43, %add3A_11] : memref<10x16384xf32, #tpu.memory_space<hbm>> -> memref<1x256xf32, #tpu.memory_space<hbm>>
        %dma_wait3A_61 = tpu.memref_squeeze %dma_wait3A_60 : memref<1x256xf32, #tpu.memory_space<hbm>> -> memref<256xf32, #tpu.memory_space<hbm>>
        %dma_wait3A_62 = arith.constant 1536 : i32
        %dma_wait3A_63 = tpu.memref_slice %arg11[%dma_wait3A_62] : memref<2560xf32, #tpu.memory_space<vmem>> -> memref<256xf32, #tpu.memory_space<vmem>>
        tpu.wait_dma2 semaphore(%run_scoped3A_47 : memref<!tpu.dma_semaphore, #tpu.memory_space<semaphore_mem>>) src(%dma_wait3A_63 : memref<256xf32, #tpu.memory_space<vmem>>) dst(%dma_wait3A_61 : memref<256xf32, #tpu.memory_space<hbm>>)
        tpu.yield
      }) : () -> ()
      %run_scoped3A_44 = arith.constant 7 : i32
      "tpu.region"() ({
        %run_scoped3A_47 = tpu.sem_alloc : memref<!tpu.dma_semaphore, #tpu.memory_space<semaphore_mem>>
        %dma_start3A_48 = arith.constant 1792 : i32
        %dma_start3A_49 = tpu.memref_slice %arg11[%dma_start3A_48] : memref<2560xf32, #tpu.memory_space<vmem>> -> memref<256xf32, #tpu.memory_space<vmem>>
        %dma_start3A_50 = tpu.memref_slice %arg6[%run_scoped3A_44, %add3A_11] : memref<10x16384xf32, #tpu.memory_space<hbm>> -> memref<1x256xf32, #tpu.memory_space<hbm>>
        %dma_start3A_51 = tpu.memref_squeeze %dma_start3A_50 : memref<1x256xf32, #tpu.memory_space<hbm>> -> memref<256xf32, #tpu.memory_space<hbm>>
        %dma_start3A_52 = tpu.memref_slice %arg6[%run_scoped3A_44, %add3A_11] : memref<10x16384xf32, #tpu.memory_space<hbm>> -> memref<1x256xf32, #tpu.memory_space<hbm>>
        %dma_start3A_53 = tpu.memref_squeeze %dma_start3A_52 : memref<1x256xf32, #tpu.memory_space<hbm>> -> memref<256xf32, #tpu.memory_space<hbm>>
        %dma_start3A_54 = arith.constant 1792 : i32
        %dma_start3A_55 = tpu.memref_slice %arg11[%dma_start3A_54] : memref<2560xf32, #tpu.memory_space<vmem>> -> memref<256xf32, #tpu.memory_space<vmem>>
        tpu.enqueue_dma source(%dma_start3A_55 : memref<256xf32, #tpu.memory_space<vmem>>) target(%dma_start3A_53 : memref<256xf32, #tpu.memory_space<hbm>>) target_semaphore(%run_scoped3A_47 : memref<!tpu.dma_semaphore, #tpu.memory_space<semaphore_mem>>)
        %dma_wait3A_56 = arith.constant 1792 : i32
        %dma_wait3A_57 = tpu.memref_slice %arg11[%dma_wait3A_56] : memref<2560xf32, #tpu.memory_space<vmem>> -> memref<256xf32, #tpu.memory_space<vmem>>
        %dma_wait3A_58 = tpu.memref_slice %arg6[%run_scoped3A_44, %add3A_11] : memref<10x16384xf32, #tpu.memory_space<hbm>> -> memref<1x256xf32, #tpu.memory_space<hbm>>
        %dma_wait3A_59 = tpu.memref_squeeze %dma_wait3A_58 : memref<1x256xf32, #tpu.memory_space<hbm>> -> memref<256xf32, #tpu.memory_space<hbm>>
        %dma_wait3A_60 = tpu.memref_slice %arg6[%run_scoped3A_44, %add3A_11] : memref<10x16384xf32, #tpu.memory_space<hbm>> -> memref<1x256xf32, #tpu.memory_space<hbm>>
        %dma_wait3A_61 = tpu.memref_squeeze %dma_wait3A_60 : memref<1x256xf32, #tpu.memory_space<hbm>> -> memref<256xf32, #tpu.memory_space<hbm>>
        %dma_wait3A_62 = arith.constant 1792 : i32
        %dma_wait3A_63 = tpu.memref_slice %arg11[%dma_wait3A_62] : memref<2560xf32, #tpu.memory_space<vmem>> -> memref<256xf32, #tpu.memory_space<vmem>>
        tpu.wait_dma2 semaphore(%run_scoped3A_47 : memref<!tpu.dma_semaphore, #tpu.memory_space<semaphore_mem>>) src(%dma_wait3A_63 : memref<256xf32, #tpu.memory_space<vmem>>) dst(%dma_wait3A_61 : memref<256xf32, #tpu.memory_space<hbm>>)
        tpu.yield
      }) : () -> ()
      %run_scoped3A_45 = arith.constant 8 : i32
      "tpu.region"() ({
        %run_scoped3A_47 = tpu.sem_alloc : memref<!tpu.dma_semaphore, #tpu.memory_space<semaphore_mem>>
        %dma_start3A_48 = arith.constant 2048 : i32
        %dma_start3A_49 = tpu.memref_slice %arg11[%dma_start3A_48] : memref<2560xf32, #tpu.memory_space<vmem>> -> memref<256xf32, #tpu.memory_space<vmem>>
        %dma_start3A_50 = tpu.memref_slice %arg6[%run_scoped3A_45, %add3A_11] : memref<10x16384xf32, #tpu.memory_space<hbm>> -> memref<1x256xf32, #tpu.memory_space<hbm>>
        %dma_start3A_51 = tpu.memref_squeeze %dma_start3A_50 : memref<1x256xf32, #tpu.memory_space<hbm>> -> memref<256xf32, #tpu.memory_space<hbm>>
        %dma_start3A_52 = tpu.memref_slice %arg6[%run_scoped3A_45, %add3A_11] : memref<10x16384xf32, #tpu.memory_space<hbm>> -> memref<1x256xf32, #tpu.memory_space<hbm>>
        %dma_start3A_53 = tpu.memref_squeeze %dma_start3A_52 : memref<1x256xf32, #tpu.memory_space<hbm>> -> memref<256xf32, #tpu.memory_space<hbm>>
        %dma_start3A_54 = arith.constant 2048 : i32
        %dma_start3A_55 = tpu.memref_slice %arg11[%dma_start3A_54] : memref<2560xf32, #tpu.memory_space<vmem>> -> memref<256xf32, #tpu.memory_space<vmem>>
        tpu.enqueue_dma source(%dma_start3A_55 : memref<256xf32, #tpu.memory_space<vmem>>) target(%dma_start3A_53 : memref<256xf32, #tpu.memory_space<hbm>>) target_semaphore(%run_scoped3A_47 : memref<!tpu.dma_semaphore, #tpu.memory_space<semaphore_mem>>)
        %dma_wait3A_56 = arith.constant 2048 : i32
        %dma_wait3A_57 = tpu.memref_slice %arg11[%dma_wait3A_56] : memref<2560xf32, #tpu.memory_space<vmem>> -> memref<256xf32, #tpu.memory_space<vmem>>
        %dma_wait3A_58 = tpu.memref_slice %arg6[%run_scoped3A_45, %add3A_11] : memref<10x16384xf32, #tpu.memory_space<hbm>> -> memref<1x256xf32, #tpu.memory_space<hbm>>
        %dma_wait3A_59 = tpu.memref_squeeze %dma_wait3A_58 : memref<1x256xf32, #tpu.memory_space<hbm>> -> memref<256xf32, #tpu.memory_space<hbm>>
        %dma_wait3A_60 = tpu.memref_slice %arg6[%run_scoped3A_45, %add3A_11] : memref<10x16384xf32, #tpu.memory_space<hbm>> -> memref<1x256xf32, #tpu.memory_space<hbm>>
        %dma_wait3A_61 = tpu.memref_squeeze %dma_wait3A_60 : memref<1x256xf32, #tpu.memory_space<hbm>> -> memref<256xf32, #tpu.memory_space<hbm>>
        %dma_wait3A_62 = arith.constant 2048 : i32
        %dma_wait3A_63 = tpu.memref_slice %arg11[%dma_wait3A_62] : memref<2560xf32, #tpu.memory_space<vmem>> -> memref<256xf32, #tpu.memory_space<vmem>>
        tpu.wait_dma2 semaphore(%run_scoped3A_47 : memref<!tpu.dma_semaphore, #tpu.memory_space<semaphore_mem>>) src(%dma_wait3A_63 : memref<256xf32, #tpu.memory_space<vmem>>) dst(%dma_wait3A_61 : memref<256xf32, #tpu.memory_space<hbm>>)
        tpu.yield
      }) : () -> ()
      %run_scoped3A_46 = arith.constant 9 : i32
      "tpu.region"() ({
        %run_scoped3A_47 = tpu.sem_alloc : memref<!tpu.dma_semaphore, #tpu.memory_space<semaphore_mem>>
        %dma_start3A_48 = arith.constant 2304 : i32
        %dma_start3A_49 = tpu.memref_slice %arg11[%dma_start3A_48] : memref<2560xf32, #tpu.memory_space<vmem>> -> memref<256xf32, #tpu.memory_space<vmem>>
        %dma_start3A_50 = tpu.memref_slice %arg6[%run_scoped3A_46, %add3A_11] : memref<10x16384xf32, #tpu.memory_space<hbm>> -> memref<1x256xf32, #tpu.memory_space<hbm>>
        %dma_start3A_51 = tpu.memref_squeeze %dma_start3A_50 : memref<1x256xf32, #tpu.memory_space<hbm>> -> memref<256xf32, #tpu.memory_space<hbm>>
        %dma_start3A_52 = tpu.memref_slice %arg6[%run_scoped3A_46, %add3A_11] : memref<10x16384xf32, #tpu.memory_space<hbm>> -> memref<1x256xf32, #tpu.memory_space<hbm>>
        %dma_start3A_53 = tpu.memref_squeeze %dma_start3A_52 : memref<1x256xf32, #tpu.memory_space<hbm>> -> memref<256xf32, #tpu.memory_space<hbm>>
        %dma_start3A_54 = arith.constant 2304 : i32
        %dma_start3A_55 = tpu.memref_slice %arg11[%dma_start3A_54] : memref<2560xf32, #tpu.memory_space<vmem>> -> memref<256xf32, #tpu.memory_space<vmem>>
        tpu.enqueue_dma source(%dma_start3A_55 : memref<256xf32, #tpu.memory_space<vmem>>) target(%dma_start3A_53 : memref<256xf32, #tpu.memory_space<hbm>>) target_semaphore(%run_scoped3A_47 : memref<!tpu.dma_semaphore, #tpu.memory_space<semaphore_mem>>)
        %dma_wait3A_56 = arith.constant 2304 : i32
        %dma_wait3A_57 = tpu.memref_slice %arg11[%dma_wait3A_56] : memref<2560xf32, #tpu.memory_space<vmem>> -> memref<256xf32, #tpu.memory_space<vmem>>
        %dma_wait3A_58 = tpu.memref_slice %arg6[%run_scoped3A_46, %add3A_11] : memref<10x16384xf32, #tpu.memory_space<hbm>> -> memref<1x256xf32, #tpu.memory_space<hbm>>
        %dma_wait3A_59 = tpu.memref_squeeze %dma_wait3A_58 : memref<1x256xf32, #tpu.memory_space<hbm>> -> memref<256xf32, #tpu.memory_space<hbm>>
        %dma_wait3A_60 = tpu.memref_slice %arg6[%run_scoped3A_46, %add3A_11] : memref<10x16384xf32, #tpu.memory_space<hbm>> -> memref<1x256xf32, #tpu.memory_space<hbm>>
        %dma_wait3A_61 = tpu.memref_squeeze %dma_wait3A_60 : memref<1x256xf32, #tpu.memory_space<hbm>> -> memref<256xf32, #tpu.memory_space<hbm>>
        %dma_wait3A_62 = arith.constant 2304 : i32
        %dma_wait3A_63 = tpu.memref_slice %arg11[%dma_wait3A_62] : memref<2560xf32, #tpu.memory_space<vmem>> -> memref<256xf32, #tpu.memory_space<vmem>>
        tpu.wait_dma2 semaphore(%run_scoped3A_47 : memref<!tpu.dma_semaphore, #tpu.memory_space<semaphore_mem>>) src(%dma_wait3A_63 : memref<256xf32, #tpu.memory_space<vmem>>) dst(%dma_wait3A_61 : memref<256xf32, #tpu.memory_space<hbm>>)
        tpu.yield
      }) : () -> ()
    }
    %scan3A_5 = arith.constant 2 : i32
    return
  }
}

</mosaic_0001>

<sc_bundles>
// kernel: kernel.3.cloned.1.call-start
scs
__scs_entry_jumppad:
0x0: {  	(pc) =	sbr.rel $0x88, $3  }
0x1: {  	(tag) =	ssettag $0x0;
	lr =	simm.s32 $0x1  }
0x2: {  	[smem:$0x3F9D] =	sst lr;
	_ =	strace $0xD0000000  }
0x3: {  	_ = 	snop  }
0x4: {  	_ = 	snop  }
0x5: {  	_ = 	snop  }
0x6: {  	_ = 	snop  }
0x7: {  	_ = 	snop  }
__scs_overlays_trampoline_lowered:
0x8: {  	[smem:$0x3FAC] =	sst s0  }
0x9: {  	[smem:$0x3FAD] =	sst s1  }
0xa: {  	[smem:$0x3FAE] =	sst s2  }
0xb: {  	[smem:$0x3FAF] =	sst s3  }
0xc: {  	[smem:$0x3FB0] =	sst s4  }
0xd: {  	[smem:$0x3FB1] =	sst s5  }
0xe: {  	[smem:$0x3FB2] =	sst s6  }
0xf: {  	[smem:$0x3FB3] =	sst s7  }
0x10: {  	[smem:$0x3FB4] =	sst s8  }
0x11: {  	[smem:$0x3FB5] =	sst s9;
	s0 =	simm.s32 @!p0 $0x0  }
0x12: {  	s1 =	sld [smem:$0x3F9B];
	s0 =	simm.s32 @p0 $0x1  }
0x13: {  	[smem:$0x3FB6] =	sst s0;
	s0 =	simm.s32 @!p1 $0x0  }
0x14: {  	s2 =	sld [smem:$0x3F9A];
	s0 =	simm.s32 @p1 $0x1  }
0x15: {  	[smem:$0x3FB7] =	sst s0;
	s0 =	simm.s32 @!p2 $0x0  }
0x16: {  	s3 =	sld [smem:$0x3FDB];
	s0 =	simm.s32 @p2 $0x1  }
0x17: {  	s4 =	simm.s32 $0x1BF5;
	[smem:$0x3FB9] =	sst s0  }
0x18: {  	s0 =	sld [smem:$0x3F9C];
	_ =	swait.ge [sflag:s4], $0x0  }
0x19: {  	s7 =	sld [smem:$0x3F9D]  }
0x1a: {  	s8 =	sadd.s32 $0xFFFFE003, lr  }
0x1b: {  	s9 =	sadd.s32 $0xFFFFFEF7, lr;
	s5 =	simm.s32 $0xFFFFFFFF;
	p2 =	slt.u32 s8, $0xFFFFF086  }
0x1c: {  	p1 =	slt.u32 s9, $0xF7A;
	s5 =	simm.s32 @!p2 $0x0  }
0x1d: {  	s5 =	simm.s32 @p1 $0x1;
	p0 =	seq.s32 s7, s2  }
0x1e: {  	s7 =	smul.u32 @!p0 $0xF7A, s2;
	p2 =	seq.s32 @!p0 s5, $0x0  }
0x1f: {  	s9 =	smul.u32 $0xF7A, s1;
	s8 =	simm.s32 @!p0 $0x1BF5;
	p2 =	por !p2, p0  }
0x20: {  	[sflag:s8] =	ssyncset.s32 @!p0 $0xFFFFF086;
	s6 =	sadd.s32 @!p0 s3, s7;
	s7 =	simm.s32 @!p0 $0x108  }
0x21: {  	s3 =	sadd.s32 s3, s9;
	s6 =	sadd.s32 @!p0 $0x88, s6;
	s7 =	simm.s32 @p2 $0x1082  }
0x22: {  	[simem:s7], [sflag:s8] =	dma.local @!p0 [hbm:s6], $0xF7A  }
0x23: {  	s9 =	sor.u32 $0xD0000000, s2;
	s6 =	simm.s32 $0x108;
	_ =	swait.ge @!p0 [sflag:s8], $0x0  }
0x24: {  	s3 =	sadd.s32 $0x88, s3;
	s6 =	simm.s32 @!p1 $0x1082;
	[sflag:s4] =	ssyncset.s32 $0xFFFFF086  }
0x25: {  	[simem:s6], [sflag:s4] =	dma.local [hbm:s3], $0xF7A  }
0x26: {  	[smem:$0x3F9D] =	sst s1;
	(tag) =	ssettag s2;
	_ =	strace s9  }
0x27: {  	s1 =	sld [smem:$0x3FAD]  }
0x28: {  	s2 =	sld [smem:$0x3FAE]  }
0x29: {  	s4 =	sld [smem:$0x3FB0]  }
0x2a: {  	p0 =	seq.s32 s5, $0x0;
	s5 =	sld [smem:$0x3FB1]  }
0x2b: {  	s6 =	sld [smem:$0x3FB2]  }
0x2c: {  	s7 =	sld [smem:$0x3FB3]  }
0x2d: {  	s3 =	simm.s32 $0x108;
	s8 =	sld [smem:$0x3FB4]  }
0x2e: {  	s3 =	simm.s32 @!p0 $0x1082;
	s9 =	sld [smem:$0x3FB5]  }
0x2f: {  	lr =	sadd.s32 s0, s3;
	s0 =	sld [smem:$0x3FAC]  }
0x30: {  	s3 =	sld [smem:$0x3FAF]  }
0x31: {  	[smem:$0x3FB8] =	sst s10  }
0x32: {  	s10 =	sld [smem:$0x3FB6];
	_ =	sdelay $0x3  }
0x33: {  	p0 =	seq.s32 s10, $0x1;
	s10 =	sld [smem:$0x3FB8];
	_ =	sdelay $0x3  }
0x34: {  	[smem:$0x3FB8] =	sst s10  }
0x35: {  	s10 =	sld [smem:$0x3FB7];
	_ =	sdelay $0x3  }
0x36: {  	p1 =	seq.s32 s10, $0x1;
	s10 =	sld [smem:$0x3FB8];
	_ =	sdelay $0x3  }
0x37: {  	[smem:$0x3FB8] =	sst s10  }
0x38: {  	s10 =	sld [smem:$0x3FB9]  }
0x39: {  	_ = 	snop;
	(pc) =	sbr.ind lr, $3  }
0x3a: {  	_ = 	snop  }
0x3b: {  	_ = 	snop  }
0x3c: {  	p2 =	seq.s32 s10, $0x1;
	s10 =	sld [smem:$0x3FB8]  }
0x3d: {  	_ =	shalt  }
0x3e: {  	_ =	shalt  }
0x3f: {  	_ =	shalt  }
0x40: {  	_ =	shalt  }
0x41: {  	_ =	shalt  }
0x42: {  	_ =	shalt  }
0x43: {  	_ =	shalt  }
0x44: {  	_ =	shalt  }
0x45: {  	_ =	shalt  }
0x46: {  	_ =	shalt  }
0x47: {  	_ =	shalt  }
0x48: {  	_ =	shalt  }
0x49: {  	_ =	shalt  }
0x4a: {  	_ =	shalt  }
0x4b: {  	_ =	shalt  }
0x4c: {  	_ =	shalt  }
0x4d: {  	_ =	shalt  }
0x4e: {  	_ =	shalt  }
0x4f: {  	_ =	shalt  }
0x50: {  	_ =	shalt  }
0x51: {  	_ =	shalt  }
0x52: {  	_ =	shalt  }
0x53: {  	_ =	shalt  }
0x54: {  	_ =	shalt  }
0x55: {  	_ =	shalt  }
0x56: {  	_ =	shalt  }
0x57: {  	_ =	shalt  }
0x58: {  	_ =	shalt  }
0x59: {  	_ =	shalt  }
0x5a: {  	_ =	shalt  }
0x5b: {  	_ =	shalt  }
0x5c: {  	_ =	shalt  }
0x5d: {  	_ =	shalt  }
0x5e: {  	_ =	shalt  }
0x5f: {  	_ =	shalt  }
0x60: {  	_ =	shalt  }
0x61: {  	_ =	shalt  }
0x62: {  	_ =	shalt  }
0x63: {  	_ =	shalt  }
0x64: {  	_ =	shalt  }
0x65: {  	_ =	shalt  }
0x66: {  	_ =	shalt  }
0x67: {  	_ =	shalt  }
0x68: {  	_ =	shalt  }
0x69: {  	_ =	shalt  }
0x6a: {  	_ =	shalt  }
0x6b: {  	_ =	shalt  }
0x6c: {  	_ =	shalt  }
0x6d: {  	_ =	shalt  }
0x6e: {  	_ =	shalt  }
0x6f: {  	_ =	shalt  }
0x70: {  	_ =	shalt  }
0x71: {  	_ =	shalt  }
0x72: {  	_ =	shalt  }
0x73: {  	_ =	shalt  }
0x74: {  	_ =	shalt  }
0x75: {  	_ =	shalt  }
0x76: {  	_ =	shalt  }
0x77: {  	_ =	shalt  }
0x78: {  	_ =	shalt  }
0x79: {  	_ =	shalt  }
0x7a: {  	_ =	shalt  }
0x7b: {  	_ =	shalt  }
0x7c: {  	_ =	shalt  }
0x7d: {  	_ =	shalt  }
0x7e: {  	_ =	shalt  }
0x7f: {  	_ =	shalt  }
0x80: {  	_ =	shalt  }
0x81: {  	_ =	shalt  }
0x82: {  	_ =	shalt  }
0x83: {  	_ =	shalt  }
0x84: {  	_ =	shalt  }
0x85: {  	_ =	shalt  }
0x86: {  	_ =	shalt  }
0x87: {  	_ =	shalt  }
.Lfunc_end0:
.L_simem_size_0:
called_computation_lowered:
.L_overlay_start_0:
0x88: {  	s2 =	sld [smem:$0x3FD9]  }
0x89: {  	s3 =	sld [smem:$0x3FFE];
	_ =	sdelay $0x1  }
0x8a: {  	s1 =	srdreg.scid  }
0x8b: {  	s0 =	sand.u32 $0x1, s1  }
0x8c: {  	s17 =	sshll.u32 s0, $0xA;
	s2 =	sadd.s32 s3, s2  }
0x8d: {  	s2 =	sadd.s32 s2, s17  }
0x8e: {  	[smem:$0x3FC4] =	sst s2  }
0x8f: {  	_ = 	snop  }
0x90: {  	s2 =	sld [smem:$0x3FC8]  }
0x91: {  	s18 =	sld [smem:$0x3FD0];
	(tm) =	ssettm $0x1  }
0x92: {  	s4 =	sld [smem:$0x3FFB];
	_ =	sdelay $0x3  }
0x93: {  	_ =	strace s4  }
0x94: {  	s4 =	sld [smem:$0x3FFC];
	_ =	sdelay $0x3  }
0x95: {  	_ =	strace s4  }
0x96: {  	s4 =	sld [smem:$0x3FFD];
	_ =	sdelay $0x3  }
0x97: {  	_ =	strace s4  }
0x98: {  	_ =	strace $0x8FFFFFFF  }
0x99: {  	s19 =	sld [smem:$0x3FDB];
	_ =	sdelay $0x1  }
0x9a: {  	s5 =	simm.s32 $_scs_section_size  }
0x9b: {  	s6 =	simm.s32 $_size__tile_overlayer_lowered;
	s7 =	simm.s32 $_tile_overlayer_lowered  }
0x9c: {  	s22 =	simm.s32 $0x1BFF;
	s21 =	sshll.u32 s7, $0x1;
	s4 =	sadd.s32 s5, s19  }
0x9d: {  	s8 =	simm.s32 $0x0;
	s20 =	sshll.u32 s6, $0x1;
	s6 =	sadd.s32 s21, s4  }
0x9e: {  	[timem:s8], [sflag:s22] =	dma.local [hbm:s6], s20  }
0x9f: {  	_ =	swait.ge [sflag:s22], s20  }
0xa0: {  	s5 =	ssub.s32 $0x0, s20;
	[sflag:s22] =	ssyncset.done $0x0  }
0xa1: {  	[sflag:s22] =	ssyncadd.s32 s5;
	_ =	sdelay $0x1  }
0xa2: {  	s23 =	simm.s32 $0x1B8B  }
0xa3: {  	_ =	swait.ge [sflag:s23], $0x1  }
0xa4: {  	[sflag:s23] =	ssyncset.done $0x0  }
0xa5: {  	s25 =	simm.s32 $0x1B8E;
	s24 =	sld [smem:$0x3FFE];
	[sflag:s23] =	ssyncadd.s32 $0xFFFFFFFF  }
0xa6: {  	s26 =	simm.s32 $execute0_lowered;
	[smem:$0x3FD2] =	sst s25  }
0xa7: {  	s6 =	sshll.u32 s26, $0x1;
	_ =	strace $0x80000046;
	[dreg:$0x1] =	wrdreg $0xFFFFFFFF  }
0xa8: {  	s28 =	simm.s32 $_size_execute0_lowered;
	s4 =	sadd.s32 s4, s6;
	[dreg:$0x0] =	wrdreg $0x0  }
0xa9: {  	s6 =	sshll.u32 s28, $0x1;
	[dreg:$0x2] =	wrdreg s4  }
0xaa: {  	[dreg:$0x3] =	wrdreg s6  }
0xab: {  	[dreg:$0x4] =	wrdreg $0xC0  }
0xac: {  	_ =	task [dreg:s8], $0x5FFFF  }
0xad: {  	[dreg:$0x1] =	wrdreg $0xFFFFFFFF  }
0xae: {  	[dreg:$0x0] =	wrdreg $0x60  }
0xaf: {  	[dreg:$0x2] =	wrdreg s18  }
0xb0: {  	[dreg:$0x3] =	wrdreg s2  }
0xb1: {  	[dreg:$0x4] =	wrdreg s24  }
0xb2: {  	[dreg:$0x5] =	wrdreg $0x9  }
0xb3: {  	_ =	task.clear_ibuf [dreg:s8], $0x6FFFF;
	_ =	strace $0x90000046  }
0xb4: {  	s29 =	simm.s32 $0x9;
	_ =	strace $0x80000048  }
0xb5: {  	_ =	swait.ge [sflag:s29], $0x1  }
0xb6: {  	[sflag:s29] =	ssyncadd.s32 $0xFFFFFFFF  }
0xb7: {  	_ =	strace $0x90000048  }
0xb8: {  	_ =	sfence  }
0xb9: {  	s30 =	sld [smem:$0x0];
	_ =	sdelay $0x2  }
0xba: {  	s31 =	sshll.u32 s1, $0xD;
	s1 =	sshrl.u32 s1, $0x2  }
0xbb: {  	s3 =	sand.u32 $0x4000, s31;
	s1 =	sadd.s32 s1, s30  }
0xbc: {  	s0 =	sor.u32 s3, s0;
	s1 =	sshll.u32 s1, $0x11  }
0xbd: {  	s0 =	sor.u32 s1, s0  }
0xbe: {  	s0 =	sadd.s32 $0x8F2B, s0  }
0xbf: {  	[sflag:s0] =	ssyncadd.remote.s32 $0x1  }
0xc0: {  	_ =	sfence.sel $0xFFFF  }
0xc1: {  	[dreg:$0x0] =	wrdreg $0xFFFFFFFF;
	(pc) =	sbr.abs _section_cstart, $3  }
0xc2: {  	[dreg:$0x1] =	wrdreg $0xFFFFFFFF  }
0xc3: {  	_ =	task.clear_ibuf [dreg:s8], $0x2FFFF;
	_ =	strace $0x9FFFFFFF  }
0xc4: {  	(tm) =	ssettm $0x7FFFFFFF  }
0xc5: {  	_ =	shalt  }
tec
execute0_lowered:
.L_overlay_start_1:
0x0: {  	(tag) =	ssettag $0x1  }
0x1: {  	v0 =	vimm.s32 $0xFEDCBA98;
	v1 =	vimm.s32 $0x76543210  }
0x2: {  	v2 =	vimm.s32 $0xBA98FEDC;
	v3 =	vimm.s32 $0x32107654;
	v4 =	vimm.s32 $0xDCFE98BA  }
0x3: {  	v5 =	vimm.s32 $0x54761032;
	v6 =	vimm.s32 $0xEFCDAB89;
	v7 =	vimm.s32 $0x67452301  }
0x4: {  	vm0 =	vmmov $0x1;
	vm1 =	vmmov $0x3;
	vm2 =	vmmov $0x7  }
0x5: {  	vm3 =	vmmov $0xf;
	vm4 =	vmmov $0x1f;
	vm5 =	vmmov $0x3f  }
0x6: {  	vm6 =	vmmov $0x7f;
	vm7 =	vmmov $0xff;
	vm8 =	vmmov $0x1ff  }
0x7: {  	s0 =	rddreg [dreg:$0x0];
	vm9 =	vmmov $0x3ff;
	vm10 =	vmmov $0x7ff;
	vm11 =	vmmov $0xfff  }
0x8: {  	s1 =	rddreg [dreg:$0x2];
	s3 =	simm.s32 $0x0;
	s2 =	srdreg.scid;
	v0 =	vunpack.c.l.s4.s8 v0;
	v1 =	vunpack.c.l.s4.s8 v1;
	v2 =	vunpack.c.l.s4.s8 v2  }
0x9: {  	s8 =	stileid.u32;
	s10 =	simm.s32 $0x2;
	s11 =	simm.s32 $0x100;
	v3 =	vunpack.c.l.s4.s8 v3;
	v4 =	vunpack.c.l.s4.s8 v4;
	v5 =	vunpack.c.l.s4.s8 v5  }
0xa: {  	s20 =	simm.s32 $0xA00;
	s23 =	simm.s32 $0x1;
	s31 =	simm.s32 $0x17100;
	v6 =	vunpack.c.l.s4.s8 v6;
	v7 =	vunpack.c.l.s4.s8 v7;
	v0 =	vunpack.c.0.s8.s32 v0  }
0xb: {  	s9 =	simm.s32 $0x17400;
	s12 =	simm.s32 $0x0;
	s2 =	sand.u32 $0x1, s2;
	v2 =	vunpack.c.0.s8.s32 v2;
	v3 =	vunpack.c.0.s8.s32 v3;
	v4 =	vunpack.c.0.s8.s32 v4  }
0xc: {  	[smem:$0x7FF] =	sst s3;
	s4 =	sadd.s32 $0xF42C00, s1;
	s6 =	ssub.s32 $0x2, s2;
	v5 =	vunpack.c.0.s8.s32 v5;
	v6 =	vunpack.c.0.s8.s32 v6;
	v7 =	vunpack.c.0.s8.s32 v7  }
0xd: {  	vm12 =	vmmov $0x1fff;
	s5 =	sadd.s32 $0x187200, s1;
	s7 =	sadd.s32 $0x800, s1;
	s29 =	sshrl.u32 s6, $0x1;
	v1 =	vunpack.c.0.s8.s32 v1;
	v2 =	vcombine.low v3, v2  }
0xe: {  	s30 =	sshll.u32 s8, $0x6;
	s2 =	sshll.u32 s2, $0xA;
	s1 =	ssub.s32 s6, s29;
	v3 =	vcombine.low v5, v4;
	v4 =	vcombine.low v7, v6;
	v0 =	vand.u32 $0xF, v0  }
0xf: {  	vm13 =	vmmov $0x3fff;
	vm14 =	vmmov $0x7fff;
	_ =	strace $0x80000047;
	s8 =	sor.u32 s30, s2;
	s1 =	smax.u32 s1, $0x1;
	v0 =	vcombine.low v0, v1  }
0x10: {  	s2 =	simm.s32 $0x17200;
	s6 =	simm.s32 $0x17300;
	[dreg:$0x4] =	wrdreg s1;
	v1 =	vand.u32 $0xF, v2;
	v2 =	vand.u32 $0xF, v3;
	v3 =	vand.u32 $0xF, v4  }
.LBB2_1:
0x11: {  	[dreg:$0x5] =	wrdreg s12;
	p1 =	por $0x1, $0x1;
	s1 =	simm.s32 $0x0  }
.LBB2_2:
0x12: {  	s1 =	sor.u32 s8, s1  }
0x13: {  	s24 =	simm.s32 $0x0;
	s12 =	sadd.s32 s0, s1  }
0x14: {  	[tilespmem:s24], [sflag:$0x2] =	stream.linear.gather [hbm4b:s12+s24], $0x100, $0x38;
	[tilespmem:$0x17500] =	vst v63  }
0x15: {  	_ =	swait.ge [sflag:s10], $0x100  }
0x16: {  	s12 =	sor.u32 $0x800, s1;
	[sflag:s10] =	ssyncset.done $0x0  }
0x17: {  	s13 =	sadd.s32 s0, s12;
	[sflag:s10] =	ssyncadd.s32 $0xFFFFFF00  }
0x18: {  	[tilespmem:s11], [sflag:$0x2] =	stream.linear.gather [hbm4b:s13+s24], $0x100, $0x38;
	[tilespmem:$0x17500] =	vst v63  }
0x19: {  	_ =	swait.ge [sflag:s10], $0x100  }
0x1a: {  	s13 =	sor.u32 $0x1000, s1;
	[sflag:s10] =	ssyncset.done $0x0  }
0x1b: {  	s15 =	simm.s32 $0x200;
	s14 =	sadd.s32 s0, s13;
	[sflag:s10] =	ssyncadd.s32 $0xFFFFFF00  }
0x1c: {  	[tilespmem:s15], [sflag:$0x2] =	stream.linear.gather [hbm4b:s14+s24], $0x100, $0x38;
	[tilespmem:$0x17500] =	vst v63  }
0x1d: {  	_ =	swait.ge [sflag:s10], $0x100  }
0x1e: {  	s14 =	sor.u32 $0x1800, s1;
	[sflag:s10] =	ssyncset.done $0x0  }
0x1f: {  	s16 =	simm.s32 $0x300;
	s18 =	sadd.s32 s0, s14;
	[sflag:s10] =	ssyncadd.s32 $0xFFFFFF00  }
0x20: {  	[tilespmem:s16], [sflag:$0x2] =	stream.linear.gather [hbm4b:s18+s24], $0x100, $0x38;
	[tilespmem:$0x17500] =	vst v63  }
0x21: {  	_ =	swait.ge [sflag:s10], $0x100  }
0x22: {  	s15 =	sor.u32 $0x2000, s1;
	[sflag:s10] =	ssyncset.done $0x0  }
0x23: {  	s17 =	simm.s32 $0x400;
	s19 =	sadd.s32 s0, s15;
	[sflag:s10] =	ssyncadd.s32 $0xFFFFFF00  }
0x24: {  	[tilespmem:s17], [sflag:$0x2] =	stream.linear.gather [hbm4b:s19+s24], $0x100, $0x38;
	[tilespmem:$0x17500] =	vst v63  }
0x25: {  	_ =	swait.ge [sflag:s10], $0x100  }
0x26: {  	s16 =	sor.u32 $0x2800, s1;
	[sflag:s10] =	ssyncset.done $0x0  }
0x27: {  	s18 =	simm.s32 $0x500;
	s21 =	sadd.s32 s0, s16;
	[sflag:s10] =	ssyncadd.s32 $0xFFFFFF00  }
0x28: {  	[tilespmem:s18], [sflag:$0x2] =	stream.linear.gather [hbm4b:s21+s24], $0x100, $0x38;
	[tilespmem:$0x17500] =	vst v63  }
0x29: {  	_ =	swait.ge [sflag:s10], $0x100  }
0x2a: {  	s17 =	sor.u32 $0x3000, s1;
	[sflag:s10] =	ssyncset.done $0x0  }
0x2b: {  	s19 =	simm.s32 $0x600;
	s22 =	sadd.s32 s0, s17;
	[sflag:s10] =	ssyncadd.s32 $0xFFFFFF00  }
0x2c: {  	[tilespmem:s19], [sflag:$0x2] =	stream.linear.gather [hbm4b:s22+s24], $0x100, $0x38;
	[tilespmem:$0x17500] =	vst v63  }
0x2d: {  	_ =	swait.ge [sflag:s10], $0x100  }
0x2e: {  	s18 =	sor.u32 $0x3800, s1;
	[sflag:s10] =	ssyncset.done $0x0  }
0x2f: {  	s21 =	simm.s32 $0x700;
	s25 =	sadd.s32 s0, s18;
	[sflag:s10] =	ssyncadd.s32 $0xFFFFFF00  }
0x30: {  	[tilespmem:s21], [sflag:$0x2] =	stream.linear.gather [hbm4b:s25+s24], $0x100, $0x38;
	[tilespmem:$0x17500] =	vst v63  }
0x31: {  	_ =	swait.ge [sflag:s10], $0x100  }
0x32: {  	s19 =	sor.u32 $0x4000, s1;
	[sflag:s10] =	ssyncset.done $0x0  }
0x33: {  	s22 =	simm.s32 $0x800;
	s26 =	sadd.s32 s0, s19;
	[sflag:s10] =	ssyncadd.s32 $0xFFFFFF00  }
0x34: {  	[tilespmem:s22], [sflag:$0x2] =	stream.linear.gather [hbm4b:s26+s24], $0x100, $0x38;
	[tilespmem:$0x17500] =	vst v63  }
0x35: {  	_ =	swait.ge [sflag:s10], $0x100  }
0x36: {  	s21 =	sor.u32 $0x4800, s1;
	[sflag:s10] =	ssyncset.done $0x0  }
0x37: {  	s25 =	simm.s32 $0x900;
	s30 =	sadd.s32 s0, s21;
	[sflag:s10] =	ssyncadd.s32 $0xFFFFFF00  }
0x38: {  	[tilespmem:s25], [sflag:$0x2] =	stream.linear.gather [hbm4b:s30+s24], $0x100, $0x38;
	[tilespmem:$0x17500] =	vst v63  }
0x39: {  	_ =	swait.ge [sflag:s10], $0x100  }
0x3a: {  	[sflag:s10] =	ssyncset.done $0x0  }
0x3b: {  	[sflag:s10] =	ssyncadd.s32 $0xFFFFFF00  }
0x3c: {  	s25 =	rddreg [dreg:$0x1]  }
0x3d: {  	s22 =	sadd.s32 s25, s1  }
0x3e: {  	[tilespmem:s20], [sflag:$0x2] =	stream.linear.gather [hbm4b:s22+s24], $0x100, $0x38;
	[tilespmem:$0x17500] =	vst v63  }
0x3f: {  	_ =	swait.ge [sflag:s10], $0x100  }
0x40: {  	[sflag:s10] =	ssyncset.done $0x0  }
0x41: {  	s26 =	simm.s32 $0xB00;
	[sflag:s10] =	ssyncadd.s32 $0xFFFFFF00  }
0x42: {  	[tilespmem:s26], [sflag:$0x1] =	stream.indirect.gather [hbm4b:s4+s20], $0x20, s24, s20, $0xb8;
	[tilespmem:$0x17500] =	vst v63  }
0x43: {  	s30 =	simm.s32 $0x14B00  }
0x44: {  	[tilespmem:s30], [sflag:$0x1] =	stream.indirect.gather [hbm4b:s5+s11], $0x20, s20, s11, $0xb8;
	[tilespmem:$0x17500] =	vst v63  }
0x45: {  	_ =	swait.ge [sflag:s23], $0x14000  }
0x46: {  	[sflag:s23] =	ssyncset.done $0x0  }
0x47: {  	[sflag:s23] =	ssyncadd.s32 $0xFFFEC000  }
0x48: {  	_ =	swait.ge [sflag:s23], $0x2000  }
0x49: {  	[sflag:s23] =	ssyncset.done $0x0  }
0x4a: {  	s22 =	simm.s32 $0xC00;
	[sflag:s23] =	ssyncadd.s32 $0xFFFFE000  }
0x4b: {  	v4 =	vld [tilespmem:s22+$0xFFFFFF00]  }
0x4c: {  	v5 =	vld [tilespmem:s22+$0x30]  }
0x4d: {  	v6 =	vld [tilespmem:s22+$0xFFFFFFA0]  }
0x4e: {  	v7 =	vld [tilespmem:s22+$0xFFFFFF80]  }
0x4f: {  	v8 =	vld [tilespmem:s22+$0xFFFFFF10]  }
0x50: {  	v9 =	vld [tilespmem:s22+$0xFFFFFF90]  }
0x51: {  	v10 =	vld [tilespmem:s22+$0xFFFFFFB0]  }
0x52: {  	v11 =	vld [tilespmem:s22+$0xFFFFFF20]  }
0x53: {  	v12 =	vld [tilespmem:s22+$0xFFFFFF50]  }
0x54: {  	v13 =	vld [tilespmem:s22+$0xFFFFFF30]  }
0x55: {  	v14 =	vld [tilespmem:s22+$0xFFFFFF60]  }
0x56: {  	v15 =	vld [tilespmem:s22+$0xFFFFFF40]  }
0x57: {  	s25 =	sand.u32 $0x1E00, s24;
	v16 =	vld [tilespmem:s22+$0xFFFFFF70]  }
0x58: {  	v17 =	vld [tilespmem:s25+$0x14B90]  }
0x59: {  	v18 =	vld [tilespmem:s25+$0x14BB0]  }
0x5a: {  	v19 =	vld [tilespmem:s25+$0x14B60]  }
0x5b: {  	v20 =	vld [tilespmem:s25+$0x14B70]  }
0x5c: {  	v21 =	vld [tilespmem:s25+$0x14B50]  }
0x5d: {  	v22 =	vld [tilespmem:s25+$0x14B40]  }
0x5e: {  	v23 =	vld [tilespmem:s25+$0x14B30]  }
0x5f: {  	v24 =	vld [tilespmem:s25+$0x14B20]  }
0x60: {  	v25 =	vld [tilespmem:s25+$0x14B10]  }
0x61: {  	v26 =	vld [tilespmem:s25+$0x14B80]  }
0x62: {  	v29 =	vld [tilespmem:s22+$0x20]  }
0x63: {  	v16 =	vmul.f32 v16, v20;
	v14 =	vmul.f32 v14, v19;
	v19 =	vld [tilespmem:s25+$0x14BA0]  }
0x64: {  	v20 =	vld [tilespmem:s25+$0x14C30];
	v15 =	vmul.f32 v15, v22;
	v13 =	vmul.f32 v13, v23  }
0x65: {  	v12 =	vmul.f32 v12, v21;
	v21 =	vld [tilespmem:s25+$0x14B00];
	v11 =	vmul.f32 v11, v24;
	v14 =	vadd.f32 v16, v14  }
0x66: {  	v9 =	vmul.f32 v9, v17;
	v8 =	vmul.f32 v8, v25;
	v17 =	vld [tilespmem:s22+$0xFFFFFFF0]  }
0x67: {  	v7 =	vmul.f32 v7, v26;
	v25 =	vld [tilespmem:s25+$0x14C20];
	v11 =	vadd.f32 v13, v11;
	v13 =	vperm.xlane v14, v0  }
0x68: {  	v10 =	vmul.f32 v10, v18;
	v16 =	vld [tilespmem:s25+$0x14BC0];
	v12 =	vadd.f32 v12, v15;
	v6 =	vmul.f32 v6, v19  }
0x69: {  	v15 =	vld [tilespmem:s22+$0xFFFFFFE0];
	v7 =	vadd.f32 v9, v7;
	v18 =	vperm.xlane v11, v0;
	v13 =	vadd.f32 v14, v13  }
0x6a: {  	v4 =	vmul.f32 v4, v21;
	v19 =	vperm.xlane v12, v0;
	v14 =	vld [tilespmem:s22+$0xFFFFFFC0];
	v6 =	vadd.f32 v10, v6  }
0x6b: {  	v5 =	vmul.f32 v5, v20;
	v11 =	vadd.f32 v11, v18;
	v10 =	vld [tilespmem:s25+$0x14BF0];
	v18 =	vperm.xlane v13, v1  }
0x6c: {  	v4 =	vadd.f32 v8, v4;
	v8 =	vadd.f32 v12, v19;
	v12 =	vld [tilespmem:s25+$0x14BE0];
	v9 =	vperm.xlane v6, v0  }
0x6d: {  	v19 =	vld [tilespmem:s25+$0x14BD0];
	v20 =	vperm.xlane v11, v1;
	v13 =	vadd.f32 v13, v18;
	v18 =	vperm.xlane v7, v0  }
0x6e: {  	v25 =	vmul.f32 v29, v25;
	v22 =	vperm.xlane v8, v1;
	v23 =	vadd.f32 v6, v9;
	v6 =	vld [tilespmem:s22+$0x10]  }
0x6f: {  	v21 =	vperm.xlane v4, v0;
	v9 =	vadd.f32 v11, v20;
	v18 =	vadd.f32 v7, v18;
	v7 =	vld [tilespmem:s22+$0xFFFFFFD0]  }
0x70: {  	v8 =	vadd.f32 v8, v22;
	v14 =	vmul.f32 v14, v16;
	v16 =	vld [tilespmem:s25+$0x14C10];
	v11 =	vperm.xlane v13, v2  }
0x71: {  	v10 =	vmul.f32 v17, v10;
	v12 =	vmul.f32 v15, v12;
	v15 =	vadd.f32 v4, v21;
	v21 =	vld [tilespmem:s22+$0x0]  }
0x72: {  	v17 =	vperm.xlane v9, v2;
	v4 =	vperm.xlane v8, v2;
	v11 =	vadd.f32 v13, v11;
	v13 =	vld [tilespmem:s25+$0x14C00]  }
0x73: {  	v20 =	vperm.xlane v18, v1;
	v22 =	vadd.f32 v10, v12;
	v10 =	vperm.xlane v15, v1  }
0x74: {  	v17 =	vadd.f32 v9, v17;
	v24 =	vadd.f32 v8, v4;
	v8 =	vmul.f32 v7, v19  }
0x75: {  	v4 =	vld [tilespmem:s22+$0xA0];
	v9 =	vperm.xlane v11, v3;
	v26 =	vadd.f32 v15, v10;
	v20 =	vadd.f32 v18, v20  }
0x76: {  	v18 =	vld [tilespmem:s22+$0x50];
	v12 =	vperm.xlane v17, v3;
	v19 =	vperm.xlane v23, v1;
	v14 =	vadd.f32 v8, v14  }
0x77: {  	v7 =	vadd.f32 v11, v9;
	v11 =	vmul.f32 v6, v16;
	v6 =	vld [tilespmem:s22+$0xD0];
	v13 =	vmul.f32 v21, v13  }
0x78: {  	v16 =	vperm.xlane v24, v3;
	v9 =	vld [tilespmem:s22+$0x40];
	v10 =	vadd.f32 v17, v12;
	v15 =	vperm.xlane v14, v0  }
0x79: {  	v8 =	vld [tilespmem:s22+$0x80];
	v17 =	vadd.f32 v23, v19;
	v19 =	vperm.xlane v26, v2;
	v13 =	vadd.f32 v11, v13  }
0x7a: {  	v27 =	vperm.xlane v22, v0;
	v12 =	vld [tilespmem:s22+$0x70];
	v11 =	vadd.f32 v24, v16;
	v21 =	vadd.f32 v14, v15  }
0x7b: {  	v16 =	vperm.xlane v17, v2;
	v23 =	vadd.f32 v26, v19;
	v19 =	vperm.xlane v20, v2;
	v15 =	vld [tilespmem:s25+$0x14C50]  }
0x7c: {  	v24 =	vadd.f32 v22, v27;
	v26 =	vperm.xlane v13, v0;
	v14 =	vld [tilespmem:s25+$0x14C40];
	v28 =	vperm.xlane v21, v1  }
0x7d: {  	v17 =	vadd.f32 v17, v16;
	v30 =	vperm.xlane v23, v3;
	v22 =	vadd.f32 v20, v19;
	v19 =	vld [tilespmem:s25+$0x14C70]  }
0x7e: {  	p0 =	por p1, p1;
	s28 =	simm.s32 $0x200;
	v27 =	vperm.xlane v24, v1;
	v20 =	vld [tilespmem:s25+$0x14C80];
	v16 =	vadd.f32 v13, v26;
	v21 =	vadd.f32 v21, v28  }
0x7f: {  	s29 =	simm.s32 $0xC00;
	s26 =	simm.s32 $0x16B00;
	s24 =	simm.s32 $0x16B00;
	v26 =	vperm.xlane v17, v3;
	v13 =	vld [tilespmem:s25+$0x14C60];
	v23 =	vadd.f32 v23, v30;
	v28 =	vperm.xlane v22, v3  }
.LBB2_3:
0x80: {  	p1 =	sne.s32 s28, $0x13E00;
	v29 =	vperm.xlane v21, v2;
	v24 =	vadd.f32 v24, v27;
	v27 =	vperm.xlane v16, v1;
	v30 =	vld [tilespmem:s22+$0x90];
	s26 =	sadd.s32 $0x10, s26;
	s29 =	sadd.s32 $0x200, s29  }
0x81: {  	v17 =	vadd.f32 v17, v26;
	s30 =	smov.u32 s28;
	s28 =	sadd.s32 $0x200, s28;
	v22 =	vadd.f32 v22, v28;
	v15 =	vmul.f32 v18, v15;
	v18 =	vld [tilespmem:s22+$0x60]  }
0x82: {  	v10 =	vsel vm0, v23, v10;
	v21 =	vadd.f32 v21, v29;
	v12 =	vmul.f32 v12, v19;
	v19 =	vld [tilespmem:s22+$0xB0]  }
0x83: {  	v9 =	vmul.f32 v9, v14;
	v5 =	vadd.f32 v5, v25;
	v16 =	vadd.f32 v16, v27;
	v14 =	vld [tilespmem:s22+$0xF0]  }
0x84: {  	v10 =	vsel vm1, v10, v11;
	v11 =	vperm.xlane v21, v3;
	v8 =	vmul.f32 v8, v20;
	v20 =	vld [tilespmem:s25+$0x14CF0]  }
0x85: {  	v25 =	vperm.xlane v5, v0;
	v9 =	vadd.f32 v15, v9;
	v23 =	vperm.xlane v16, v2;
	v15 =	vld [tilespmem:s25+$0x14C90]  }
0x86: {  	v11 =	vadd.f32 v21, v11;
	v21 =	vperm.xlane v24, v2;
	v13 =	vmul.f32 v18, v13;
	v18 =	vld [tilespmem:s25+$0x14CB0]  }
0x87: {  	v5 =	vadd.f32 v5, v25;
	v16 =	vadd.f32 v16, v23;
	v23 =	vperm.xlane v9, v0;
	v25 =	vld [tilespmem:s25+$0x14CA0]  }
0x88: {  	v7 =	vsel vm2, v10, v7;
	v10 =	vadd.f32 v24, v21;
	v12 =	vadd.f32 v12, v13;
	v13 =	vld [tilespmem:s25+$0x14CD0]  }
0x89: {  	v7 =	vsel vm3, v7, v22;
	v22 =	vperm.xlane v5, v1;
	v21 =	vperm.xlane v16, v3;
	v24 =	vld [tilespmem:s25+$0x14CC0]  }
0x8a: {  	v9 =	vadd.f32 v9, v23;
	v14 =	vmul.f32 v14, v20;
	v26 =	vperm.xlane v10, v3;
	v23 =	vld [tilespmem:s25+$0x14CE0]  }
0x8b: {  	v7 =	vsel vm4, v7, v17;
	v16 =	vadd.f32 v16, v21;
	v17 =	vperm.xlane v12, v0;
	v20 =	vld [tilespmem:s22+$0xE0]  }
0x8c: {  	v21 =	vperm.xlane v9, v1;
	v18 =	vmul.f32 v19, v18;
	v10 =	vadd.f32 v10, v26;
	v19 =	vld [tilespmem:s22+$0xC0];
	s22 =	smov.u32 s29  }
0x8d: {  	v7 =	vsel vm5, v7, v11;
	v5 =	vadd.f32 v5, v22;
	v11 =	vmul.f32 v30, v15  }
0x8e: {  	v9 =	vadd.f32 v9, v21;
	v6 =	vmul.f32 v6, v13;
	v7 =	vsel vm6, v7, v10  }
0x8f: {  	v8 =	vadd.f32 v11, v8;
	v4 =	vmul.f32 v4, v25;
	v7 =	vsel vm7, v7, v16  }
0x90: {  	v11 =	vadd.f32 v12, v17;
	v10 =	vperm.xlane v5, v2;
	v12 =	vmul.f32 v20, v23  }
0x91: {  	v13 =	vperm.xlane v9, v2;
	v4 =	vadd.f32 v18, v4;
	v15 =	vmul.f32 v19, v24  }
0x92: {  	v5 =	vadd.f32 v5, v10;
	v10 =	vperm.xlane v11, v1;
	v12 =	vadd.f32 v14, v12  }
0x93: {  	v9 =	vadd.f32 v9, v13;
	v13 =	vperm.xlane v8, v0;
	v14 =	vperm.xlane v4, v0  }
0x94: {  	v16 =	vperm.xlane v5, v3;
	v10 =	vadd.f32 v11, v10;
	v11 =	vperm.xlane v12, v0  }
0x95: {  	v17 =	vperm.xlane v9, v3;
	v8 =	vadd.f32 v8, v13;
	v6 =	vadd.f32 v6, v15  }
0x96: {  	v5 =	vadd.f32 v5, v16;
	v13 =	vperm.xlane v10, v2;
	v4 =	vadd.f32 v4, v14  }
0x97: {  	v9 =	vadd.f32 v9, v17;
	v14 =	vperm.xlane v8, v1;
	v15 =	vperm.xlane v6, v0  }
0x98: {  	v5 =	vsel vm8, v7, v5;
	v7 =	vadd.f32 v10, v13;
	v10 =	vperm.xlane v4, v1  }
0x99: {  	v11 =	vadd.f32 v12, v11;
	v6 =	vadd.f32 v6, v15  }
0x9a: {  	v8 =	vadd.f32 v8, v14;
	v12 =	vperm.xlane v7, v3;
	v4 =	vadd.f32 v4, v10  }
0x9b: {  	v13 =	vperm.xlane v11, v1;
	v10 =	vperm.xlane v6, v1  }
0x9c: {  	v7 =	vadd.f32 v7, v12;
	v12 =	vperm.xlane v8, v2;
	v14 =	vperm.xlane v4, v2  }
0x9d: {  	v6 =	vadd.f32 v6, v10;
	v10 =	vadd.f32 v11, v13  }
0x9e: {  	v5 =	vsel vm9, v5, v9;
	v8 =	vadd.f32 v8, v12;
	v4 =	vadd.f32 v4, v14  }
0x9f: {  	v5 =	vsel vm10, v5, v7;
	v7 =	vperm.xlane v6, v2  }
0xa0: {  	v11 =	vperm.xlane v10, v2;
	v9 =	vperm.xlane v4, v3  }
0xa1: {  	v12 =	vperm.xlane v8, v3;
	v6 =	vadd.f32 v6, v7  }
0xa2: {  	v7 =	vadd.f32 v10, v11;
	v4 =	vadd.f32 v4, v9  }
0xa3: {  	v8 =	vadd.f32 v8, v12;
	v9 =	vperm.xlane v6, v3  }
0xa4: {  	v10 =	vperm.xlane v7, v3  }
0xa5: {  	v5 =	vsel vm11, v5, v8;
	v6 =	vadd.f32 v6, v9  }
0xa6: {  	v4 =	vsel vm12, v5, v4;
	v5 =	vadd.f32 v7, v10  }
0xa7: {  	v4 =	vsel vm13, v4, v6  }
0xa8: {  	v4 =	vsel vm14, v4, v5  }
0xa9: {  	[tilespmem:s24+$0x0] =	vst v4;
	s24 =	smov.u32 s26;
	_ =	sdelay $0x4  }
0xaa: {  	v4 =	vld [tilespmem:s29+$0xFFFFFF00]  }
0xab: {  	v5 =	vld [tilespmem:s29+$0x30]  }
0xac: {  	v6 =	vld [tilespmem:s29+$0xFFFFFFA0]  }
0xad: {  	v7 =	vld [tilespmem:s29+$0xFFFFFF80]  }
0xae: {  	v8 =	vld [tilespmem:s29+$0xFFFFFF10]  }
0xaf: {  	v9 =	vld [tilespmem:s29+$0xFFFFFF90]  }
0xb0: {  	v10 =	vld [tilespmem:s29+$0xFFFFFFB0]  }
0xb1: {  	v11 =	vld [tilespmem:s29+$0xFFFFFF20]  }
0xb2: {  	v12 =	vld [tilespmem:s29+$0xFFFFFF50]  }
0xb3: {  	v13 =	vld [tilespmem:s29+$0xFFFFFF30]  }
0xb4: {  	v14 =	vld [tilespmem:s29+$0xFFFFFF60]  }
0xb5: {  	v15 =	vld [tilespmem:s29+$0xFFFFFF40]  }
0xb6: {  	s25 =	sand.u32 $0x1E00, s30;
	v16 =	vld [tilespmem:s29+$0xFFFFFF70]  }
0xb7: {  	v17 =	vld [tilespmem:s25+$0x14C30]  }
0xb8: {  	v18 =	vld [tilespmem:s25+$0x14B90]  }
0xb9: {  	v19 =	vld [tilespmem:s25+$0x14BB0]  }
0xba: {  	v20 =	vld [tilespmem:s25+$0x14B60]  }
0xbb: {  	v21 =	vld [tilespmem:s25+$0x14B70]  }
0xbc: {  	v22 =	vld [tilespmem:s25+$0x14B50]  }
0xbd: {  	v23 =	vld [tilespmem:s25+$0x14B40]  }
0xbe: {  	v24 =	vld [tilespmem:s25+$0x14B30]  }
0xbf: {  	v25 =	vld [tilespmem:s25+$0x14B20]  }
0xc0: {  	v26 =	vld [tilespmem:s25+$0x14B10]  }
0xc1: {  	v16 =	vmul.f32 v16, v21;
	v21 =	vld [tilespmem:s25+$0x14B80]  }
0xc2: {  	v14 =	vmul.f32 v14, v20;
	v15 =	vmul.f32 v15, v23;
	v20 =	vld [tilespmem:s25+$0x14BA0]  }
0xc3: {  	v12 =	vmul.f32 v12, v22;
	v13 =	vmul.f32 v13, v24;
	v22 =	vld [tilespmem:s25+$0x14BC0]  }
0xc4: {  	v10 =	vmul.f32 v10, v19;
	v14 =	vadd.f32 v16, v14;
	v23 =	vld [tilespmem:s25+$0x14B00];
	v11 =	vmul.f32 v11, v25  }
0xc5: {  	v9 =	vmul.f32 v9, v18;
	v12 =	vadd.f32 v12, v15  }
0xc6: {  	v8 =	vmul.f32 v8, v26;
	v11 =	vadd.f32 v13, v11;
	v13 =	vperm.xlane v14, v0;
	v15 =	vld [tilespmem:s29+$0xFFFFFFE0]  }
0xc7: {  	v7 =	vmul.f32 v7, v21;
	v6 =	vmul.f32 v6, v20;
	v16 =	vld [tilespmem:s29+$0xFFFFFFF0]  }
0xc8: {  	v5 =	vmul.f32 v5, v17;
	v18 =	vperm.xlane v11, v0;
	v13 =	vadd.f32 v14, v13;
	v14 =	vld [tilespmem:s29+$0xFFFFFFC0]  }
0xc9: {  	v17 =	vperm.xlane v12, v0;
	v4 =	vmul.f32 v4, v23;
	v6 =	vadd.f32 v10, v6;
	v10 =	vld [tilespmem:s25+$0x14BF0]  }
0xca: {  	v7 =	vadd.f32 v9, v7;
	v11 =	vadd.f32 v11, v18;
	v18 =	vperm.xlane v13, v1;
	v9 =	vld [tilespmem:s25+$0x14BD0]  }
0xcb: {  	v4 =	vadd.f32 v8, v4;
	v8 =	vadd.f32 v12, v17;
	v12 =	vperm.xlane v6, v0;
	v17 =	vld [tilespmem:s25+$0x14BE0]  }
0xcc: {  	v19 =	vperm.xlane v11, v1;
	v13 =	vadd.f32 v13, v18;
	v18 =	vperm.xlane v7, v0  }
0xcd: {  	v20 =	vperm.xlane v4, v0;
	v21 =	vperm.xlane v8, v1;
	v12 =	vadd.f32 v6, v12;
	v6 =	vld [tilespmem:s29+$0x10]  }
0xce: {  	v11 =	vadd.f32 v11, v19;
	v19 =	vperm.xlane v13, v2;
	v18 =	vadd.f32 v7, v18;
	v7 =	vld [tilespmem:s29+$0xFFFFFFD0]  }
0xcf: {  	v14 =	vmul.f32 v14, v22;
	v10 =	vmul.f32 v16, v10;
	v8 =	vadd.f32 v8, v21;
	v16 =	vld [tilespmem:s25+$0x14C10]  }
0xd0: {  	v21 =	vperm.xlane v11, v2;
	v13 =	vadd.f32 v13, v19;
	v15 =	vmul.f32 v15, v17;
	v17 =	vld [tilespmem:s25+$0x14C00]  }
0xd1: {  	v19 =	vadd.f32 v4, v20;
	v20 =	vperm.xlane v18, v1;
	v4 =	vperm.xlane v8, v2;
	v22 =	vld [tilespmem:s29+$0x0]  }
0xd2: {  	v11 =	vadd.f32 v11, v21;
	v21 =	vperm.xlane v13, v3;
	v23 =	vadd.f32 v10, v15;
	v25 =	vld [tilespmem:s25+$0x14C20]  }
0xd3: {  	v10 =	vperm.xlane v19, v1;
	v15 =	vadd.f32 v8, v4;
	v8 =	vmul.f32 v7, v9;
	v4 =	vld [tilespmem:s29+$0xA0]  }
0xd4: {  	v24 =	vperm.xlane v11, v3;
	v7 =	vadd.f32 v13, v21;
	v13 =	vmul.f32 v6, v16;
	v6 =	vld [tilespmem:s29+$0xD0]  }
0xd5: {  	v21 =	vperm.xlane v12, v1;
	v16 =	vperm.xlane v15, v3;
	v14 =	vadd.f32 v8, v14;
	v8 =	vld [tilespmem:s29+$0x80]  }
0xd6: {  	v19 =	vadd.f32 v19, v10;
	v26 =	vperm.xlane v23, v0;
	v17 =	vmul.f32 v22, v17;
	v9 =	vld [tilespmem:s29+$0x40]  }
0xd7: {  	v10 =	vadd.f32 v11, v24;
	v21 =	vadd.f32 v12, v21;
	v22 =	vperm.xlane v14, v0;
	v12 =	vld [tilespmem:s29+$0x70]  }
0xd8: {  	v20 =	vadd.f32 v18, v20;
	v24 =	vperm.xlane v19, v2;
	v13 =	vadd.f32 v13, v17;
	v29 =	vld [tilespmem:s29+$0x20]  }
0xd9: {  	v11 =	vadd.f32 v15, v16;
	v16 =	vperm.xlane v21, v2;
	v27 =	vadd.f32 v14, v22;
	v15 =	vld [tilespmem:s25+$0x14C50]  }
.Ltmp0:
0xda: {  	v28 =	vadd.f32 v19, v24;
	v19 =	vperm.xlane v20, v2;
	v30 =	vperm.xlane v13, v0;
	v14 =	vld [tilespmem:s25+$0x14C40];
	(pc) =	sbr.rel @p1 .LBB2_3-.Ltmp0, $4  }
0xdb: {  	v24 =	vadd.f32 v23, v26;
	v17 =	vadd.f32 v21, v16;
	v21 =	vperm.xlane v27, v1;
	v18 =	vld [tilespmem:s29+$0x50]  }
0xdc: {  	v23 =	vperm.xlane v28, v3;
	v22 =	vadd.f32 v20, v19;
	v16 =	vadd.f32 v13, v30;
	v19 =	vld [tilespmem:s25+$0x14C70]  }
0xdd: {  	v26 =	vperm.xlane v17, v3;
	v21 =	vadd.f32 v27, v21;
	v27 =	vperm.xlane v24, v1;
	v13 =	vld [tilespmem:s25+$0x14C60]  }
0xde: {  	v23 =	vadd.f32 v28, v23;
	v28 =	vperm.xlane v22, v3;
	v25 =	vmul.f32 v29, v25;
	v20 =	vld [tilespmem:s25+$0x14C80]  }
0xdf: {  	v48 =	vld [tilespmem:s22+$0x90]  }
0xe0: {  	v49 =	vld [tilespmem:s22+$0x60]  }
0xe1: {  	v51 =	vld [tilespmem:s22+$0xB0]  }
0xe2: {  	v52 =	vld [tilespmem:s22+$0xF0]  }
0xe3: {  	v53 =	vld [tilespmem:s25+$0x14CF0]  }
0xe4: {  	v29 =	vperm.xlane v21, v2;
	v24 =	vadd.f32 v24, v27;
	v56 =	vld [tilespmem:s25+$0x14C90]  }
0xe5: {  	v30 =	vperm.xlane v16, v1;
	v17 =	vadd.f32 v17, v26;
	v9 =	vmul.f32 v9, v14;
	v59 =	vld [tilespmem:s25+$0x14CB0]  }
0xe6: {  	v60 =	vld [tilespmem:s25+$0x14CA0];
	v22 =	vadd.f32 v22, v28;
	v15 =	vmul.f32 v18, v15;
	v5 =	vadd.f32 v5, v25  }
0xe7: {  	v63 =	vld [tilespmem:s25+$0x14CD0];
	v10 =	vsel vm0, v23, v10;
	v50 =	vadd.f32 v21, v29;
	v12 =	vmul.f32 v12, v19  }
0xe8: {  	v32 =	vld [tilespmem:s25+$0x14CE0];
	v16 =	vadd.f32 v16, v30;
	v10 =	vsel vm1, v10, v11;
	v58 =	vperm.xlane v24, v2  }
0xe9: {  	v35 =	vld [tilespmem:s22+$0xE0];
	v55 =	vperm.xlane v5, v0;
	v9 =	vadd.f32 v15, v9;
	v21 =	vperm.xlane v50, v3  }
0xea: {  	v7 =	vsel vm2, v10, v7;
	v8 =	vmul.f32 v8, v20;
	v54 =	vperm.xlane v16, v2  }
0xeb: {  	v33 =	vld [tilespmem:s22+$0xC0];
	v62 =	vadd.f32 v24, v58;
	v13 =	vmul.f32 v49, v13;
	v61 =	vperm.xlane v9, v0  }
0xec: {  	v29 =	vld [tilespmem:s25+$0x14CC0];
	v7 =	vsel vm3, v7, v22;
	v14 =	vmul.f32 v52, v53;
	v19 =	vmul.f32 v51, v59  }
0xed: {  	v5 =	vadd.f32 v5, v55;
	v37 =	vmul.f32 v48, v56;
	v6 =	vmul.f32 v6, v63  }
0xee: {  	v7 =	vsel vm4, v7, v17;
	v4 =	vmul.f32 v4, v60;
	v40 =	vmul.f32 v35, v32  }
0xef: {  	v57 =	vadd.f32 v50, v21;
	v11 =	vadd.f32 v16, v54;
	v31 =	vperm.xlane v62, v3  }
0xf0: {  	v12 =	vadd.f32 v12, v13;
	v30 =	vperm.xlane v5, v1;
	v9 =	vadd.f32 v9, v61  }
0xf1: {  	v8 =	vadd.f32 v37, v8;
	v39 =	vmul.f32 v33, v29;
	v4 =	vadd.f32 v19, v4  }
0xf2: {  	v43 =	vadd.f32 v14, v40;
	v28 =	vperm.xlane v11, v3;
	v10 =	vadd.f32 v62, v31  }
0xf3: {  	v7 =	vsel vm5, v7, v57;
	v34 =	vperm.xlane v12, v0;
	v36 =	vperm.xlane v9, v1  }
0xf4: {  	v5 =	vadd.f32 v5, v30;
	v42 =	vperm.xlane v8, v0;
	v6 =	vadd.f32 v6, v39  }
0xf5: {  	v44 =	vperm.xlane v4, v0;
	v47 =	vperm.xlane v43, v0;
	v11 =	vadd.f32 v11, v28  }
0xf6: {  	v7 =	vsel vm6, v7, v10;
	v9 =	vadd.f32 v9, v36;
	v38 =	vperm.xlane v5, v2  }
0xf7: {  	v12 =	vadd.f32 v12, v34;
	v8 =	vadd.f32 v8, v42;
	v46 =	vperm.xlane v6, v0  }
0xf8: {  	v4 =	vadd.f32 v4, v44;
	v10 =	vadd.f32 v43, v47;
	v7 =	vsel vm7, v7, v11  }
0xf9: {  	v41 =	vperm.xlane v9, v2;
	v5 =	vadd.f32 v5, v38;
	v45 =	vperm.xlane v12, v1  }
0xfa: {  	v16 =	vperm.xlane v8, v1;
	v6 =	vadd.f32 v6, v46;
	v49 =	vperm.xlane v4, v1  }
0xfb: {  	v53 =	vperm.xlane v10, v1;
	v9 =	vadd.f32 v9, v41;
	v12 =	vadd.f32 v12, v45  }
0xfc: {  	v48 =	vperm.xlane v5, v3;
	v8 =	vadd.f32 v8, v16;
	v51 =	vperm.xlane v6, v1  }
0xfd: {  	v4 =	vadd.f32 v4, v49;
	v10 =	vadd.f32 v10, v53;
	v52 =	vperm.xlane v12, v2  }
0xfe: {  	v50 =	vperm.xlane v9, v3;
	v54 =	vperm.xlane v8, v2;
	v6 =	vadd.f32 v6, v51  }
0xff: {  	v5 =	vadd.f32 v5, v48;
	v55 =	vperm.xlane v4, v2;
	v12 =	vadd.f32 v12, v52  }
0x100: {  	v58 =	vperm.xlane v10, v2;
	v8 =	vadd.f32 v8, v54;
	v56 =	vperm.xlane v6, v2  }
0x101: {  	v9 =	vadd.f32 v9, v50;
	v4 =	vadd.f32 v4, v55;
	v57 =	vperm.xlane v12, v3  }
0x102: {  	v5 =	vsel vm8, v7, v5;
	v59 =	vperm.xlane v8, v3;
	v6 =	vadd.f32 v6, v56  }
0x103: {  	v10 =	vadd.f32 v10, v58;
	v61 =	vperm.xlane v4, v3;
	v60 =	vadd.f32 v12, v57  }
0x104: {  	v5 =	vsel vm9, v5, v9;
	v7 =	vadd.f32 v8, v59;
	v62 =	vperm.xlane v6, v3  }
0x105: {  	v63 =	vperm.xlane v10, v3;
	v4 =	vadd.f32 v4, v61;
	v5 =	vsel vm10, v5, v60  }
0x106: {  	v6 =	vadd.f32 v6, v62;
	v5 =	vsel vm11, v5, v7  }
0x107: {  	v4 =	vsel vm12, v5, v4;
	v5 =	vadd.f32 v10, v63  }
0x108: {  	v4 =	vsel vm13, v4, v6  }
0x109: {  	v4 =	vsel vm14, v4, v5  }
0x10a: {  	s1 =	sadd.s32 s7, s1;
	s25 =	simm.s32 $0x16B00;
	[tilespmem:s24+$0x0] =	vst v4  }
0x10b: {  	[hbm4b:s1+s3] =	stream.linear.scatter [tilespmem:s25], [sflag:$0x2], $0x100, $0x38;
	[tilespmem:$0x17500] =	vst v63  }
0x10c: {  	_ =	swait.ge [sflag:s10], $0x100  }
0x10d: {  	[sflag:s10] =	ssyncset.done $0x0  }
0x10e: {  	s26 =	sadd.s32 s7, s12;
	s28 =	simm.s32 $0x16C00;
	[sflag:s10] =	ssyncadd.s32 $0xFFFFFF00  }
0x10f: {  	[hbm4b:s26+s3] =	stream.linear.scatter [tilespmem:s28], [sflag:$0x2], $0x100, $0x38;
	[tilespmem:$0x17500] =	vst v63  }
0x110: {  	_ =	swait.ge [sflag:s10], $0x100  }
0x111: {  	[sflag:s10] =	ssyncset.done $0x0  }
0x112: {  	s29 =	sadd.s32 s7, s13;
	s30 =	simm.s32 $0x16D00;
	[sflag:s10] =	ssyncadd.s32 $0xFFFFFF00  }
0x113: {  	[hbm4b:s29+s3] =	stream.linear.scatter [tilespmem:s30], [sflag:$0x2], $0x100, $0x38;
	[tilespmem:$0x17500] =	vst v63  }
0x114: {  	_ =	swait.ge [sflag:s10], $0x100  }
0x115: {  	[sflag:s10] =	ssyncset.done $0x0  }
0x116: {  	s13 =	sadd.s32 s7, s14;
	s14 =	simm.s32 $0x16E00;
	[sflag:s10] =	ssyncadd.s32 $0xFFFFFF00  }
0x117: {  	[hbm4b:s13+s3] =	stream.linear.scatter [tilespmem:s14], [sflag:$0x2], $0x100, $0x38;
	[tilespmem:$0x17500] =	vst v63  }
0x118: {  	_ =	swait.ge [sflag:s10], $0x100  }
0x119: {  	[sflag:s10] =	ssyncset.done $0x0  }
0x11a: {  	s15 =	sadd.s32 s7, s15;
	s22 =	simm.s32 $0x16F00;
	[sflag:s10] =	ssyncadd.s32 $0xFFFFFF00  }
0x11b: {  	[hbm4b:s15+s3] =	stream.linear.scatter [tilespmem:s22], [sflag:$0x2], $0x100, $0x38;
	[tilespmem:$0x17500] =	vst v63  }
0x11c: {  	_ =	swait.ge [sflag:s10], $0x100  }
0x11d: {  	[sflag:s10] =	ssyncset.done $0x0  }
0x11e: {  	s24 =	sadd.s32 s7, s16;
	s25 =	simm.s32 $0x17000;
	[sflag:s10] =	ssyncadd.s32 $0xFFFFFF00  }
0x11f: {  	[hbm4b:s24+s3] =	stream.linear.scatter [tilespmem:s25], [sflag:$0x2], $0x100, $0x38;
	[tilespmem:$0x17500] =	vst v63  }
0x120: {  	_ =	swait.ge [sflag:s10], $0x100  }
0x121: {  	[sflag:s10] =	ssyncset.done $0x0  }
0x122: {  	s26 =	sadd.s32 s7, s17;
	[sflag:s10] =	ssyncadd.s32 $0xFFFFFF00  }
0x123: {  	[hbm4b:s26+s3] =	stream.linear.scatter [tilespmem:s31], [sflag:$0x2], $0x100, $0x38;
	[tilespmem:$0x17500] =	vst v63  }
0x124: {  	_ =	swait.ge [sflag:s10], $0x100  }
0x125: {  	[sflag:s10] =	ssyncset.done $0x0  }
0x126: {  	s28 =	sadd.s32 s7, s18;
	[sflag:s10] =	ssyncadd.s32 $0xFFFFFF00  }
0x127: {  	[hbm4b:s28+s3] =	stream.linear.scatter [tilespmem:s2], [sflag:$0x2], $0x100, $0x38;
	[tilespmem:$0x17500] =	vst v63  }
0x128: {  	_ =	swait.ge [sflag:s10], $0x100  }
0x129: {  	[sflag:s10] =	ssyncset.done $0x0  }
0x12a: {  	s29 =	sadd.s32 s7, s19;
	[sflag:s10] =	ssyncadd.s32 $0xFFFFFF00  }
0x12b: {  	[hbm4b:s29+s3] =	stream.linear.scatter [tilespmem:s6], [sflag:$0x2], $0x100, $0x38;
	[tilespmem:$0x17500] =	vst v63  }
0x12c: {  	_ =	swait.ge [sflag:s10], $0x100  }
0x12d: {  	[sflag:s10] =	ssyncset.done $0x0  }
.Ltmp1:
0x12e: {  	s30 =	sadd.s32 s7, s21;
	[sflag:s10] =	ssyncadd.s32 $0xFFFFFF00;
	(pc) =	sbr.rel @p0 .LBB2_2-.Ltmp1, $4  }
0x12f: {  	[hbm4b:s30+s3] =	stream.linear.scatter [tilespmem:s9], [sflag:$0x2], $0x100, $0x38;
	[tilespmem:$0x17500] =	vst v63  }
0x130: {  	_ =	swait.ge [sflag:s10], $0x100  }
0x131: {  	[sflag:s10] =	ssyncset.done $0x0  }
0x132: {  	p1 =	por $0x0, $0x0;
	s1 =	simm.s32 $0x20;
	[sflag:s10] =	ssyncadd.s32 $0xFFFFFF00  }
0x133: {  	s12 =	rddreg [dreg:$0x5]  }
0x134: {  	s1 =	rddreg [dreg:$0x4];
	s12 =	sadd.s32 $0x1, s12  }
0x135: {  	p0 =	sne.s32 s12, s1  }
.Ltmp2:
0x136: {  	_ = 	snop;
	(pc) =	sbr.rel @p0 .LBB2_1-.Ltmp2, $1  }
0x137: {  	_ =	sdelay $0x3  }
0x138: {  	_ =	sfence.sel $0x180000  }
0x139: {  	[bflag:$0x0] =	sbarrier.arrive $0xFFFF  }
0x13a: {  	_ =	strace $0x90000047  }
0x13b: {  	s0 =	stileid.u32;
	[bflag:$0x2] =	sbarrier.arrive $0xFFFF  }
0x13c: {  	p0 =	sne.s32 s0, $0x0;
	s0 =	rddreg [dreg:$0x3]  }
0x13d: {  	s0 =	sadd.s32 @!p0 $0x100000, s0  }
0x13e: {  	[sflag:s0] =	ssyncadd.tile.s32 @!p0 $0x1;
	_ =	shalt  }
.Lfunc_end2:
_tile_overlayer_lowered:
.L_overlay_start_2:
0x13f: {  	(tag) =	ssettag $0x2  }
0x140: {  	s0 =	rddreg [dreg:$0x0];
	s2 =	stileid.u32  }
0x141: {  	s1 =	rddreg [dreg:$0x1];
	p0 =	sne.s32 s2, $0x0  }
0x142: {  	s3 =	rddreg [dreg:$0x2];
	[bflag:$0x3] =	sbarrier.arrive $0xFFFF;
	s2 =	simm.s32 @!p0 $0x1C02  }
0x143: {  	[timem:s3], [sflag:s2] =	dma.local @!p0 [hbm:s0], s1  }
0x144: {  	s0 =	simm.s32 @!p0 $0x2  }
0x145: {  	_ =	swait.ge @!p0 [sflag:s0], s1  }
0x146: {  	s1 =	ssub.s32 @!p0 $0x0, s1;
	[sflag:s0] =	ssyncset.done @!p0 $0x0  }
0x147: {  	[sflag:s0] =	ssyncadd.s32 @!p0 s1  }
0x148: {  	[bflag:$0x3] =	sbarrier.arrive $0xFFFF  }
0x149: {  	_ =	shalt  }

</sc_bundles>
